<compile_context>
chip_gen: v7x
topology: tpu7x:2x2x1
jax: 0.10.2.dev20260603
libtpu: 0.0.44.dev20260713+nightly
codegen_flags: <defaults>
</compile_context>

<pallas_src>
import functools

import jax
import jax.numpy as jnp
from jax import lax
from jax.experimental import pallas as pl
from jax.experimental.pallas import tpu as pltpu
from jax.experimental.pallas import tpu_sc as plsc

_PREC = lax.Precision.DEFAULT
_TAPS2 = ((0, 0), (0, 1), (1, 0), (1, 1))


def _leaky(x):
    return jnp.where(x >= 0, x, 0.01 * x)


def _halo_tiles(xpad, Th, mx):
    B, Hp, Wp, C = xpad.shape
    NT = (Hp - mx) // Th
    return jnp.stack([xpad[:, i * Th:i * Th + Th + mx] for i in range(NT)],
                     axis=1)


def _unphase2(y, Co):
    B, H, W, _ = y.shape
    y = y.reshape(B, H, W, 2, 2, Co).transpose(0, 1, 3, 2, 4, 5)
    return y.reshape(B, 2 * H, 2 * W, Co)



def _tap_conv(xs, w, b, taps, Wo, relu, bf16=False):
    B, NT, Ht, Wp, C = xs.shape
    T = len(taps)
    mx = max(dy for dy, _ in taps)
    Th = Ht - mx
    N = w.shape[1]
    pertap = C >= 128

    cast = (lambda v: v.astype(jnp.bfloat16)) if bf16 else (lambda v: v)

    def body(x_ref, w_ref, b_ref, o_ref):
        if pertap:
            acc = None
            for t, (dy, dx) in enumerate(taps):
                xt = x_ref[0, 0, dy:dy + Th, dx:dx + Wo, :]
                d = lax.dot_general(cast(xt.reshape(Th * Wo, C)),
                                    cast(w_ref[t * C:(t + 1) * C, :]),
                                    (((1,), (0,)), ((), ())),
                                    preferred_element_type=jnp.float32,
                                    precision=_PREC)
                acc = d if acc is None else acc + d
        else:
            parts = [x_ref[0, 0, dy:dy + Th, dx:dx + Wo, :]
                     for dy, dx in taps]
            xt = jnp.concatenate(parts, axis=-1).reshape(Th * Wo, T * C)
            acc = lax.dot_general(cast(xt), cast(w_ref[...]),
                                  (((1,), (0,)), ((), ())),
                                  preferred_element_type=jnp.float32,
                                  precision=_PREC)
        y = acc + b_ref[0, :][None, :]
        if relu:
            y = _leaky(y)
        o_ref[0] = y.reshape(Th, Wo, N)

    return pl.pallas_call(
        body,
        grid=(B, NT),
        in_specs=[
            pl.BlockSpec((1, 1, Ht, Wp, C), lambda bb, r: (bb, r, 0, 0, 0)),
            pl.BlockSpec((T * C, N), lambda bb, r: (0, 0)),
            pl.BlockSpec((1, N), lambda bb, r: (0, 0)),
        ],
        out_specs=pl.BlockSpec((1, Th, Wo, N), lambda bb, r: (bb, r, 0, 0)),
        out_shape=jax.ShapeDtypeStruct((B, NT * Th, Wo, N), jnp.float32),
    )(xs, w, b)



def _pack_w_e1(w):
    Ci, Co = w.shape[2], w.shape[3]
    z = jnp.zeros((Ci, Co), w.dtype)
    blocks = []
    for a in (0, 1):
        for bb in (0, 1):
            for ry in range(4):
                for rx in range(4):
                    cols = []
                    for u in (0, 1):
                        for v in (0, 1):
                            ky = ry + 4 * a - 2 * u
                            kx = rx + 4 * bb - 2 * v
                            ok = 0 <= ky <= 2 and 0 <= kx <= 2
                            cols.append(w[ky, kx] if ok else z)
                    blocks.append(jnp.concatenate(cols, axis=1))
    return jnp.concatenate(blocks, axis=0)


def _conv_e1(x, w, b, Th):
    B, H, W, C = x.shape
    HB = H // 4
    xpad = jnp.pad(x, ((0, 0), (0, 4), (0, 4), (0, 0)))
    xq = xpad.reshape(B, HB + 1, 4, HB + 1, 4, C)
    xq = xq.transpose(0, 1, 3, 2, 4, 5).reshape(B, HB + 1, HB + 1, 16 * C)
    xs = _halo_tiles(xq, Th, 1)
    y = _tap_conv(xs, _pack_w_e1(w), jnp.tile(b, 4).reshape(1, -1),
                  _TAPS2, HB, True)
    return _unphase2(y, w.shape[3])



def _pack_x_s2(x):
    B, H, W, C = x.shape
    Ho, Wo = H // 2, W // 2
    xpad = jnp.pad(x, ((0, 0), (0, 2), (0, 2), (0, 0)))
    xp = xpad.reshape(B, Ho + 1, 2, Wo + 1, 2, C)
    return xp.transpose(0, 1, 3, 2, 4, 5).reshape(B, Ho + 1, Wo + 1, 4 * C)


def _pack_w_s2(w):
    Ci, Co = w.shape[2], w.shape[3]
    z = jnp.zeros((Ci, Co), w.dtype)
    rows = []
    for a in (0, 1):
        for bb in (0, 1):
            for py in (0, 1):
                for px in (0, 1):
                    ky, kx = 2 * a + py, 2 * bb + px
                    rows.append(w[ky, kx] if (ky < 3 and kx < 3) else z)
    return jnp.concatenate(rows, axis=0)


def _conv_s2(x, w, b, Th):
    Ho, Wo = x.shape[1] // 2, x.shape[2] // 2
    xs = _halo_tiles(_pack_x_s2(x), Th, 1)
    return _tap_conv(xs, _pack_w_s2(w), b.reshape(1, -1), _TAPS2, Wo, True)



def _pack_w_t(w):
    Ci, Co = w.shape[2], w.shape[3]
    z = jnp.zeros((Ci, Co), w.dtype)
    blocks = []
    for a in (0, 1):
        for bb in (0, 1):
            cols = []
            for py in (0, 1):
                for px in (0, 1):
                    vy = (py == 0) or (a == 1)
                    vx = (px == 0) or (bb == 1)
                    ky = 2 * a if py == 0 else 1
                    kx = 2 * bb if px == 0 else 1
                    cols.append(w[ky, kx] if (vy and vx) else z)
            blocks.append(jnp.concatenate(cols, axis=1))
    return jnp.concatenate(blocks, axis=0)


def _conv_t2(x, w, b, Th):
    B, H, W, C = x.shape
    Co = w.shape[3]
    xpad = jnp.pad(x, ((0, 0), (1, 0), (1, 0), (0, 0)))
    xs = _halo_tiles(xpad, Th, 1)
    y = _tap_conv(xs, _pack_w_t(w), jnp.tile(b, 4).reshape(1, -1),
                  _TAPS2, W, True, bf16=True)
    return _unphase2(y, Co)



def _vq_indices(h, w4, b4, cb, Tr):
    B, Hh, Wh, C = h.shape
    D = w4.shape[1]
    K = cb.shape[1]
    NT = Hh // Tr
    M = Tr * Wh

    def body(x_ref, w_ref, b_ref, cb_ref, o_ref):
        flat = x_ref[0].reshape(M, C)
        z = lax.dot_general(flat.astype(jnp.bfloat16),
                            w_ref[...].astype(jnp.bfloat16),
                            (((1,), (0,)), ((), ())),
                            preferred_element_type=jnp.float32) \
            + b_ref[0, :][None, :]
        cbv = cb_ref[...]
        sim = lax.dot_general(z.astype(jnp.bfloat16),
                              cbv.astype(jnp.bfloat16),
                              (((1,), (0,)), ((), ())),
                              preferred_element_type=jnp.float32)
        zn = jnp.sum(z * z, axis=1, keepdims=True)
        cn = jnp.sum(cbv * cbv, axis=0)[None, :]
        dist = zn + cn - 2.0 * sim
        mn = jnp.min(dist, axis=1, keepdims=True)
        iota = lax.broadcasted_iota(jnp.int32, (M, K), 1)
        idx = jnp.min(jnp.where(dist <= mn, iota, K), axis=1)
        o_ref[0, 0, 0] = idx

    return pl.pallas_call(
        body,
        grid=(B, NT),
        in_specs=[
            pl.BlockSpec((1, Tr, Wh, C), lambda bb, r: (bb, r, 0, 0)),
            pl.BlockSpec((C, D), lambda bb, r: (0, 0)),
            pl.BlockSpec((1, D), lambda bb, r: (0, 0)),
            pl.BlockSpec((D, K), lambda bb, r: (0, 0)),
        ],
        out_specs=pl.BlockSpec((1, 1, 1, M), lambda bb, r: (bb, r, 0, 0)),
        out_shape=jax.ShapeDtypeStruct((B, NT, 1, M), jnp.int32),
    )(h, w4, b4.reshape(1, -1), cb)



def _sc_gather(table, idx):
    V, D = table.shape
    B = idx.shape[0]
    info = plsc.get_sparse_core_info()
    NC, NS = info.num_cores, info.num_subcores
    NW = NC * NS
    bpw = B // NW
    CH = 128
    nch = bpw // CH
    mesh = plsc.VectorSubcoreMesh(core_axis_name="c", subcore_axis_name="s")

    @functools.partial(
        pl.kernel, mesh=mesh,
        out_type=jax.ShapeDtypeStruct((B, D), jnp.float32),
        scratch_types=[
            pltpu.VMEM((bpw,), jnp.int32),
            pltpu.VMEM((bpw, D), jnp.float32),
            pltpu.SemaphoreType.DMA,
        ],
    )
    def k(table_hbm, idx_hbm, out_hbm, idx_v, rows_v, sem):
        wid = lax.axis_index("s") * NC + lax.axis_index("c")
        base = wid * bpw
        pltpu.sync_copy(idx_hbm.at[pl.ds(base, bpw)], idx_v)
        copies = []
        for c in range(nch):
            copies.append(pltpu.async_copy(
                table_hbm.at[idx_v.at[pl.ds(c * CH, CH)]],
                rows_v.at[pl.ds(c * CH, CH)], sem))
        for cp in copies:
            cp.wait()
        pltpu.sync_copy(rows_v, out_hbm.at[pl.ds(base, bpw)])

    return k(table, idx)



def _conv_final(x, w, b, Th):
    B, H, W, C = x.shape
    xpad = jnp.pad(x, ((0, 0), (1, 1), (1, 1), (0, 0)))
    xs = _halo_tiles(xpad, Th, 2)
    NT = xs.shape[1]
    wf = w[:, :, :, 0].reshape(9, C)

    def body(x_ref, w_ref, b_ref, o_ref):
        acc = jnp.zeros((Th, W, C), jnp.float32)
        t = 0
        for dy in range(3):
            for dx in range(3):
                xsl = x_ref[0, 0, dy:dy + Th, dx:dx + W, :]
                acc = acc + xsl * w_ref[t][None, None, :]
                t += 1
        o_ref[0] = jnp.sum(acc, axis=-1) + b_ref[0, 0]

    y = pl.pallas_call(
        body,
        grid=(B, NT),
        in_specs=[
            pl.BlockSpec((1, 1, Th + 2, W + 2, C),
                         lambda bb, r: (bb, r, 0, 0, 0)),
            pl.BlockSpec((9, C), lambda bb, r: (0, 0)),
            pl.BlockSpec((1, 1), lambda bb, r: (0, 0)),
        ],
        out_specs=pl.BlockSpec((1, Th, W), lambda bb, r: (bb, r, 0)),
        out_shape=jax.ShapeDtypeStruct((B, H, W), jnp.float32),
    )(xs, wf, b.reshape(1, 1))
    return y[..., None]



def kernel(x, We1, be1, We2, be2, We3, be3, We4, be4, codebook,
           Wd1, bd1, Wd2, bd2, Wd3, bd3, Wd4, bd4):
    h = _conv_e1(x, We1, be1, Th=32)
    h = _conv_s2(h, We2, be2, Th=32)
    h = _conv_s2(h, We3, be3, Th=32)
    idx = _vq_indices(h, We4.reshape(64, -1), be4, codebook, Tr=16)
    B = x.shape[0]
    D = codebook.shape[0]
    idx_flat = idx.reshape(-1)
    table = jnp.pad(codebook.T, ((0, 0), (0, 128 - D)))
    q = _sc_gather(table, idx_flat)
    q = q[:, :D].reshape(B, 64, 64, D)
    h = _conv_t2(q, Wd1, bd1, Th=32)
    h = _conv_t2(h, Wd2, bd2, Th=32)
    h = _conv_t2(h, Wd3, bd3, Th=16)
    out = _conv_final(h, Wd4, bd4, Th=32)
    return out

# --- scband reference (transcript-rebuilt; emitter-appended) ---
"""Pipeline reference for scband-vqvae-89850715833079 (READ-ONLY COPY).

The authoritative reference and input builder live on the scoring server;
editing this copy changes nothing except your own understanding.
"""

import jax, jax.numpy as jnp
import numpy as np
from jax import lax


def _conv(x, w, b, stride):
    y = lax.conv_general_dilated(x, w, (stride, stride), 'SAME', dimension_numbers=('NHWC', 'HWIO', 'NHWC'))
    return y + b


def _convT(x, w, b, stride):
    y = lax.conv_transpose(x, w, (stride, stride), 'SAME', dimension_numbers=('NHWC', 'HWIO', 'NHWC'))
    return y + b


def setup_inputs(seed: int = 0) -> dict:
    key = jax.random.key(seed)
    ks = jax.random.split(key, 20)
    latent_dim = 32
    num_embeddings = 1024
    s = 0.05
    inp = {}
    inp['x'] = jax.random.normal(ks[0], (4, 512, 512, 3), dtype=jnp.float32)
    # encoder weights
    inp['We1'] = jax.random.normal(ks[1], (3, 3, 3, 32), dtype=jnp.float32) * s
    inp['be1'] = jnp.zeros((32,), dtype=jnp.float32)
    inp['We2'] = jax.random.normal(ks[2], (3, 3, 32, 64), dtype=jnp.float32) * s
    inp['be2'] = jnp.zeros((64,), dtype=jnp.float32)
    inp['We3'] = jax.random.normal(ks[3], (3, 3, 64, 64), dtype=jnp.float32) * s
    inp['be3'] = jnp.zeros((64,), dtype=jnp.float32)
    inp['We4'] = jax.random.normal(ks[4], (1, 1, 64, latent_dim), dtype=jnp.float32) * s
    inp['be4'] = jnp.zeros((latent_dim,), dtype=jnp.float32)
    # VQ codebook: (embedding_dim, num_embeddings) as in the original layer
    inp['codebook'] = jax.random.uniform(ks[5], (latent_dim, num_embeddings), dtype=jnp.float32, minval=-0.05, maxval=0.05)
    # decoder weights
    inp['Wd1'] = jax.random.normal(ks[6], (3, 3, latent_dim, 64), dtype=jnp.float32) * s
    inp['bd1'] = jnp.zeros((64,), dtype=jnp.float32)
    inp['Wd2'] = jax.random.normal(ks[7], (3, 3, 64, 64), dtype=jnp.float32) * s
    inp['bd2'] = jnp.zeros((64,), dtype=jnp.float32)
    inp['Wd3'] = jax.random.normal(ks[8], (3, 3, 64, 32), dtype=jnp.float32) * s
    inp['bd3'] = jnp.zeros((32,), dtype=jnp.float32)
    inp['Wd4'] = jax.random.normal(ks[9], (3, 3, 32, 1), dtype=jnp.float32) * s
    inp['bd4'] = jnp.zeros((1,), dtype=jnp.float32)
    return inp


def reference(x, We1, be1, We2, be2, We3, be3, We4, be4, codebook, Wd1, bd1, Wd2, bd2, Wd3, bd3, Wd4, bd4):
    # encoder
    h = jax.nn.leaky_relu(_conv(x, We1, be1, 2))
    h = jax.nn.leaky_relu(_conv(h, We2, be2, 2))
    h = jax.nn.leaky_relu(_conv(h, We3, be3, 2))
    z = _conv(h, We4, be4, 1)
    # vector quantizer
    D = z.shape[-1]
    K = codebook.shape[1]
    flat = z.reshape(-1, D)
    similarity = flat @ codebook
    distances = jnp.sum(flat ** 2, axis=1, keepdims=True) + jnp.sum(codebook ** 2, axis=0) - 2.0 * similarity
    encoding_indices = jnp.argmin(distances, axis=1)
    encodings = jax.nn.one_hot(encoding_indices, K, dtype=flat.dtype)
    quantized = encodings @ codebook.T
    quantized = quantized.reshape(z.shape)
    # straight-through estimator
    quantized = z + lax.stop_gradient(quantized - z)
    # decoder
    h = jax.nn.leaky_relu(_convT(quantized, Wd1, bd1, 2))
    h = jax.nn.leaky_relu(_convT(h, Wd2, bd2, 2))
    h = jax.nn.leaky_relu(_convT(h, Wd3, bd3, 2))
    out = _convT(h, Wd4, bd4, 1)
    return out

if __name__ == "__main__":
    import jax
    _d = setup_inputs()
    print(jax.jit(kernel)(*tuple(_d.values())))

</pallas_src>

<mosaic_0001>
#map = affine_map<(d0, d1) -> (0, 0)>
#map1 = affine_map<(d0, d1) -> (0)>
module attributes {stable_mosaic.version = 14 : i64} {
  func.func @k(%arg0: i32, %arg1: i32, %arg2: memref<1024x128xf32, #tpu.memory_space<hbm>>, %arg3: memref<16384xi32, #tpu.memory_space<hbm>>, %arg4: memref<16384x128xf32, #tpu.memory_space<hbm>>, %arg5: memref<512xi32, #tpu.memory_space<vmem>>, %arg6: memref<512x128xf32, #tpu.memory_space<vmem>>, %arg7: memref<!tpu.dma_semaphore, #tpu.memory_space<semaphore_mem>>) attributes {dimension_semantics = [#tpu.dimension_semantics<core_parallel>, #tpu.dimension_semantics<subcore_parallel>], iteration_bounds = array<i64: 2, 16>, scalar_prefetch = 0 : i64, scratch_operands = 3 : i64, tpu.core_type = #tpu.core_type<sc_vector_subcore>, window_params = [{transform_indices = #map}, {transform_indices = #map1}, {transform_indices = #map}]} {
    %mul3A = arith.constant 2 : i32
    %mul3A_0 = arith.muli %arg1, %mul3A : i32
    %add3A = arith.addi %mul3A_0, %arg0 : i32
    %mul3A_1 = arith.constant 512 : i32
    %mul3A_2 = arith.muli %add3A, %mul3A_1 : i32
    "tpu.region"() ({
      %run_scoped3A = tpu.sem_alloc : memref<!tpu.dma_semaphore, #tpu.memory_space<semaphore_mem>>
      %dma_start3A_65 = tpu.memref_slice %arg3[%mul3A_2] : memref<16384xi32, #tpu.memory_space<hbm>> -> memref<512xi32, #tpu.memory_space<hbm>>
      %dma_start3A_66 = tpu.memref_slice %arg3[%mul3A_2] : memref<16384xi32, #tpu.memory_space<hbm>> -> memref<512xi32, #tpu.memory_space<hbm>>
      tpu.enqueue_dma source(%dma_start3A_66 : memref<512xi32, #tpu.memory_space<hbm>>) target(%arg5 : memref<512xi32, #tpu.memory_space<vmem>>) target_semaphore(%run_scoped3A : memref<!tpu.dma_semaphore, #tpu.memory_space<semaphore_mem>>)
      %dma_wait3A_67 = tpu.memref_slice %arg3[%mul3A_2] : memref<16384xi32, #tpu.memory_space<hbm>> -> memref<512xi32, #tpu.memory_space<hbm>>
      %dma_wait3A_68 = tpu.memref_slice %arg3[%mul3A_2] : memref<16384xi32, #tpu.memory_space<hbm>> -> memref<512xi32, #tpu.memory_space<hbm>>
      tpu.wait_dma2 semaphore(%run_scoped3A : memref<!tpu.dma_semaphore, #tpu.memory_space<semaphore_mem>>) src(%dma_wait3A_68 : memref<512xi32, #tpu.memory_space<hbm>>) dst(%arg5 : memref<512xi32, #tpu.memory_space<vmem>>)
      tpu.yield
    }) : () -> ()
    %dma_start3A = arith.constant 0 : i32
    %dma_start3A_3 = arith.constant 0 : i32
    %dma_start3A_4 = tpu.memref_slice %arg6[%dma_start3A, %dma_start3A_3] : memref<512x128xf32, #tpu.memory_space<vmem>> -> memref<128x128xf32, #tpu.memory_space<vmem>>
    %dma_start3A_5 = arith.constant 0 : i32
    %dma_start3A_6 = tpu.memref_slice %arg5[%dma_start3A_5] : memref<512xi32, #tpu.memory_space<vmem>> -> memref<128xi32, #tpu.memory_space<vmem>>
    %dma_start3A_7 = arith.constant 0 : i32
    %dma_start3A_8 = arith.constant 0 : i32
    %dma_start3A_9 = tpu.memref_slice %arg2[%dma_start3A_7, %dma_start3A_8] : memref<1024x128xf32, #tpu.memory_space<hbm>> -> memref<1024x128xf32, #tpu.memory_space<hbm>>
    tpu.enqueue_indirect_dma source(%dma_start3A_9 : memref<1024x128xf32, #tpu.memory_space<hbm>>) target(%dma_start3A_4 : memref<128x128xf32, #tpu.memory_space<vmem>>) offsets(%dma_start3A_6 : memref<128xi32, #tpu.memory_space<vmem>>) semaphore(%arg7 : memref<!tpu.dma_semaphore, #tpu.memory_space<semaphore_mem>>)
    %dma_start3A_10 = arith.constant 128 : i32
    %dma_start3A_11 = arith.constant 0 : i32
    %dma_start3A_12 = tpu.memref_slice %arg6[%dma_start3A_10, %dma_start3A_11] : memref<512x128xf32, #tpu.memory_space<vmem>> -> memref<128x128xf32, #tpu.memory_space<vmem>>
    %dma_start3A_13 = arith.constant 128 : i32
    %dma_start3A_14 = tpu.memref_slice %arg5[%dma_start3A_13] : memref<512xi32, #tpu.memory_space<vmem>> -> memref<128xi32, #tpu.memory_space<vmem>>
    %dma_start3A_15 = arith.constant 0 : i32
    %dma_start3A_16 = arith.constant 0 : i32
    %dma_start3A_17 = tpu.memref_slice %arg2[%dma_start3A_15, %dma_start3A_16] : memref<1024x128xf32, #tpu.memory_space<hbm>> -> memref<1024x128xf32, #tpu.memory_space<hbm>>
    tpu.enqueue_indirect_dma source(%dma_start3A_17 : memref<1024x128xf32, #tpu.memory_space<hbm>>) target(%dma_start3A_12 : memref<128x128xf32, #tpu.memory_space<vmem>>) offsets(%dma_start3A_14 : memref<128xi32, #tpu.memory_space<vmem>>) semaphore(%arg7 : memref<!tpu.dma_semaphore, #tpu.memory_space<semaphore_mem>>)
    %dma_start3A_18 = arith.constant 256 : i32
    %dma_start3A_19 = arith.constant 0 : i32
    %dma_start3A_20 = tpu.memref_slice %arg6[%dma_start3A_18, %dma_start3A_19] : memref<512x128xf32, #tpu.memory_space<vmem>> -> memref<128x128xf32, #tpu.memory_space<vmem>>
    %dma_start3A_21 = arith.constant 256 : i32
    %dma_start3A_22 = tpu.memref_slice %arg5[%dma_start3A_21] : memref<512xi32, #tpu.memory_space<vmem>> -> memref<128xi32, #tpu.memory_space<vmem>>
    %dma_start3A_23 = arith.constant 0 : i32
    %dma_start3A_24 = arith.constant 0 : i32
    %dma_start3A_25 = tpu.memref_slice %arg2[%dma_start3A_23, %dma_start3A_24] : memref<1024x128xf32, #tpu.memory_space<hbm>> -> memref<1024x128xf32, #tpu.memory_space<hbm>>
    tpu.enqueue_indirect_dma source(%dma_start3A_25 : memref<1024x128xf32, #tpu.memory_space<hbm>>) target(%dma_start3A_20 : memref<128x128xf32, #tpu.memory_space<vmem>>) offsets(%dma_start3A_22 : memref<128xi32, #tpu.memory_space<vmem>>) semaphore(%arg7 : memref<!tpu.dma_semaphore, #tpu.memory_space<semaphore_mem>>)
    %dma_start3A_26 = arith.constant 384 : i32
    %dma_start3A_27 = arith.constant 0 : i32
    %dma_start3A_28 = tpu.memref_slice %arg6[%dma_start3A_26, %dma_start3A_27] : memref<512x128xf32, #tpu.memory_space<vmem>> -> memref<128x128xf32, #tpu.memory_space<vmem>>
    %dma_start3A_29 = arith.constant 384 : i32
    %dma_start3A_30 = tpu.memref_slice %arg5[%dma_start3A_29] : memref<512xi32, #tpu.memory_space<vmem>> -> memref<128xi32, #tpu.memory_space<vmem>>
    %dma_start3A_31 = arith.constant 0 : i32
    %dma_start3A_32 = arith.constant 0 : i32
    %dma_start3A_33 = tpu.memref_slice %arg2[%dma_start3A_31, %dma_start3A_32] : memref<1024x128xf32, #tpu.memory_space<hbm>> -> memref<1024x128xf32, #tpu.memory_space<hbm>>
    tpu.enqueue_indirect_dma source(%dma_start3A_33 : memref<1024x128xf32, #tpu.memory_space<hbm>>) target(%dma_start3A_28 : memref<128x128xf32, #tpu.memory_space<vmem>>) offsets(%dma_start3A_30 : memref<128xi32, #tpu.memory_space<vmem>>) semaphore(%arg7 : memref<!tpu.dma_semaphore, #tpu.memory_space<semaphore_mem>>)
    %dma_wait3A = arith.constant 0 : i32
    %dma_wait3A_34 = arith.constant 0 : i32
    %dma_wait3A_35 = tpu.memref_slice %arg6[%dma_wait3A, %dma_wait3A_34] : memref<512x128xf32, #tpu.memory_space<vmem>> -> memref<128x128xf32, #tpu.memory_space<vmem>>
    %dma_wait3A_36 = arith.constant 0 : i32
    %dma_wait3A_37 = tpu.memref_slice %arg5[%dma_wait3A_36] : memref<512xi32, #tpu.memory_space<vmem>> -> memref<128xi32, #tpu.memory_space<vmem>>
    %dma_wait3A_38 = arith.constant 0 : i32
    %dma_wait3A_39 = arith.constant 0 : i32
    %dma_wait3A_40 = tpu.memref_slice %arg2[%dma_wait3A_38, %dma_wait3A_39] : memref<1024x128xf32, #tpu.memory_space<hbm>> -> memref<1024x128xf32, #tpu.memory_space<hbm>>
    tpu.wait_indirect_dma semaphore(%arg7 : memref<!tpu.dma_semaphore, #tpu.memory_space<semaphore_mem>>) src(%dma_wait3A_40 : memref<1024x128xf32, #tpu.memory_space<hbm>>) dst(%dma_wait3A_35 : memref<128x128xf32, #tpu.memory_space<vmem>>)
    %dma_wait3A_41 = arith.constant 128 : i32
    %dma_wait3A_42 = arith.constant 0 : i32
    %dma_wait3A_43 = tpu.memref_slice %arg6[%dma_wait3A_41, %dma_wait3A_42] : memref<512x128xf32, #tpu.memory_space<vmem>> -> memref<128x128xf32, #tpu.memory_space<vmem>>
    %dma_wait3A_44 = arith.constant 128 : i32
    %dma_wait3A_45 = tpu.memref_slice %arg5[%dma_wait3A_44] : memref<512xi32, #tpu.memory_space<vmem>> -> memref<128xi32, #tpu.memory_space<vmem>>
    %dma_wait3A_46 = arith.constant 0 : i32
    %dma_wait3A_47 = arith.constant 0 : i32
    %dma_wait3A_48 = tpu.memref_slice %arg2[%dma_wait3A_46, %dma_wait3A_47] : memref<1024x128xf32, #tpu.memory_space<hbm>> -> memref<1024x128xf32, #tpu.memory_space<hbm>>
    tpu.wait_indirect_dma semaphore(%arg7 : memref<!tpu.dma_semaphore, #tpu.memory_space<semaphore_mem>>) src(%dma_wait3A_48 : memref<1024x128xf32, #tpu.memory_space<hbm>>) dst(%dma_wait3A_43 : memref<128x128xf32, #tpu.memory_space<vmem>>)
    %dma_wait3A_49 = arith.constant 256 : i32
    %dma_wait3A_50 = arith.constant 0 : i32
    %dma_wait3A_51 = tpu.memref_slice %arg6[%dma_wait3A_49, %dma_wait3A_50] : memref<512x128xf32, #tpu.memory_space<vmem>> -> memref<128x128xf32, #tpu.memory_space<vmem>>
    %dma_wait3A_52 = arith.constant 256 : i32
    %dma_wait3A_53 = tpu.memref_slice %arg5[%dma_wait3A_52] : memref<512xi32, #tpu.memory_space<vmem>> -> memref<128xi32, #tpu.memory_space<vmem>>
    %dma_wait3A_54 = arith.constant 0 : i32
    %dma_wait3A_55 = arith.constant 0 : i32
    %dma_wait3A_56 = tpu.memref_slice %arg2[%dma_wait3A_54, %dma_wait3A_55] : memref<1024x128xf32, #tpu.memory_space<hbm>> -> memref<1024x128xf32, #tpu.memory_space<hbm>>
    tpu.wait_indirect_dma semaphore(%arg7 : memref<!tpu.dma_semaphore, #tpu.memory_space<semaphore_mem>>) src(%dma_wait3A_56 : memref<1024x128xf32, #tpu.memory_space<hbm>>) dst(%dma_wait3A_51 : memref<128x128xf32, #tpu.memory_space<vmem>>)
    %dma_wait3A_57 = arith.constant 384 : i32
    %dma_wait3A_58 = arith.constant 0 : i32
    %dma_wait3A_59 = tpu.memref_slice %arg6[%dma_wait3A_57, %dma_wait3A_58] : memref<512x128xf32, #tpu.memory_space<vmem>> -> memref<128x128xf32, #tpu.memory_space<vmem>>
    %dma_wait3A_60 = arith.constant 384 : i32
    %dma_wait3A_61 = tpu.memref_slice %arg5[%dma_wait3A_60] : memref<512xi32, #tpu.memory_space<vmem>> -> memref<128xi32, #tpu.memory_space<vmem>>
    %dma_wait3A_62 = arith.constant 0 : i32
    %dma_wait3A_63 = arith.constant 0 : i32
    %dma_wait3A_64 = tpu.memref_slice %arg2[%dma_wait3A_62, %dma_wait3A_63] : memref<1024x128xf32, #tpu.memory_space<hbm>> -> memref<1024x128xf32, #tpu.memory_space<hbm>>
    tpu.wait_indirect_dma semaphore(%arg7 : memref<!tpu.dma_semaphore, #tpu.memory_space<semaphore_mem>>) src(%dma_wait3A_64 : memref<1024x128xf32, #tpu.memory_space<hbm>>) dst(%dma_wait3A_59 : memref<128x128xf32, #tpu.memory_space<vmem>>)
    "tpu.region"() ({
      %run_scoped3A = tpu.sem_alloc : memref<!tpu.dma_semaphore, #tpu.memory_space<semaphore_mem>>
      %dma_start3A_65 = arith.constant 0 : i32
      %dma_start3A_66 = tpu.memref_slice %arg4[%mul3A_2, %dma_start3A_65] : memref<16384x128xf32, #tpu.memory_space<hbm>> -> memref<512x128xf32, #tpu.memory_space<hbm>>
      %dma_start3A_67 = arith.constant 0 : i32
      %dma_start3A_68 = tpu.memref_slice %arg4[%mul3A_2, %dma_start3A_67] : memref<16384x128xf32, #tpu.memory_space<hbm>> -> memref<512x128xf32, #tpu.memory_space<hbm>>
      tpu.enqueue_dma source(%arg6 : memref<512x128xf32, #tpu.memory_space<vmem>>) target(%dma_start3A_68 : memref<512x128xf32, #tpu.memory_space<hbm>>) target_semaphore(%run_scoped3A : memref<!tpu.dma_semaphore, #tpu.memory_space<semaphore_mem>>)
      %dma_wait3A_69 = arith.constant 0 : i32
      %dma_wait3A_70 = tpu.memref_slice %arg4[%mul3A_2, %dma_wait3A_69] : memref<16384x128xf32, #tpu.memory_space<hbm>> -> memref<512x128xf32, #tpu.memory_space<hbm>>
      %dma_wait3A_71 = arith.constant 0 : i32
      %dma_wait3A_72 = tpu.memref_slice %arg4[%mul3A_2, %dma_wait3A_71] : memref<16384x128xf32, #tpu.memory_space<hbm>> -> memref<512x128xf32, #tpu.memory_space<hbm>>
      tpu.wait_dma2 semaphore(%run_scoped3A : memref<!tpu.dma_semaphore, #tpu.memory_space<semaphore_mem>>) src(%arg6 : memref<512x128xf32, #tpu.memory_space<vmem>>) dst(%dma_wait3A_72 : memref<512x128xf32, #tpu.memory_space<hbm>>)
      tpu.yield
    }) : () -> ()
    return
  }
}

module attributes {stable_mosaic.version = 14 : i64} {
  func.func @body(%arg0: i32, %arg1: i32, %arg2: memref<1x1x33x129x48xf32, #tpu.memory_space<vmem>>, %arg3: memref<192x128xf32, #tpu.memory_space<vmem>>, %arg4: memref<1x128xf32, #tpu.memory_space<vmem>>, %arg5: memref<1x32x128x128xf32, #tpu.memory_space<vmem>>) attributes {dimension_semantics = [#tpu.dimension_semantics<arbitrary>, #tpu.dimension_semantics<arbitrary>], iteration_bounds = array<i64: 4, 4>, scalar_prefetch = 0 : i64, scratch_operands = 0 : i64, tpu.core_type = #tpu.core_type<tc>, window_params = [{transform_indices = @transform_0, window_bounds = array<i64: 1, 1, 33, 129, 48>}, {pipeline_mode = #tpu.pipeline_mode<synchronous>, transform_indices = @transform_1, window_bounds = array<i64: 192, 128>}, {pipeline_mode = #tpu.pipeline_mode<synchronous>, transform_indices = @transform_2, window_bounds = array<i64: 1, 128>}, {transform_indices = @transform_3, window_bounds = array<i64: 1, 32, 128, 128>}]} {
    %get3A = arith.constant 0 : index
    %get3A_0 = arith.constant 0 : index
    %get3A_1 = arith.constant 0 : index
    %get3A_2 = arith.constant 0 : index
    %get3A_3 = arith.constant 0 : index
    %get3A_4 = vector.load %arg2[%get3A, %get3A_0, %get3A_1, %get3A_2, %get3A_3] : memref<1x1x33x129x48xf32, #tpu.memory_space<vmem>>, vector<1x1x32x128x48xf32>
    %get3A_5 = vector.shape_cast %get3A_4 : vector<1x1x32x128x48xf32> to vector<32x128x48xf32>
    %get3A_6 = arith.constant 0 : index
    %get3A_7 = arith.constant 0 : index
    %get3A_8 = arith.constant 0 : index
    %get3A_9 = arith.constant 1 : index
    %get3A_10 = arith.constant 0 : index
    %get3A_11 = vector.load %arg2[%get3A_6, %get3A_7, %get3A_8, %get3A_9, %get3A_10] : memref<1x1x33x129x48xf32, #tpu.memory_space<vmem>>, vector<1x1x32x128x48xf32>
    %get3A_12 = vector.shape_cast %get3A_11 : vector<1x1x32x128x48xf32> to vector<32x128x48xf32>
    %get3A_13 = arith.constant 0 : index
    %get3A_14 = arith.constant 0 : index
    %get3A_15 = arith.constant 1 : index
    %get3A_16 = arith.constant 0 : index
    %get3A_17 = arith.constant 0 : index
    %get3A_18 = vector.load %arg2[%get3A_13, %get3A_14, %get3A_15, %get3A_16, %get3A_17] : memref<1x1x33x129x48xf32, #tpu.memory_space<vmem>>, vector<1x1x32x128x48xf32>
    %get3A_19 = vector.shape_cast %get3A_18 : vector<1x1x32x128x48xf32> to vector<32x128x48xf32>
    %get3A_20 = arith.constant 0 : index
    %get3A_21 = arith.constant 0 : index
    %get3A_22 = arith.constant 1 : index
    %get3A_23 = arith.constant 1 : index
    %get3A_24 = arith.constant 0 : index
    %get3A_25 = vector.load %arg2[%get3A_20, %get3A_21, %get3A_22, %get3A_23, %get3A_24] : memref<1x1x33x129x48xf32, #tpu.memory_space<vmem>>, vector<1x1x32x128x48xf32>
    %get3A_26 = vector.shape_cast %get3A_25 : vector<1x1x32x128x48xf32> to vector<32x128x48xf32>
    %concatenate3A = tpu.concatenate %get3A_5, %get3A_12, %get3A_19, %get3A_26 in 2 : vector<32x128x48xf32>, vector<32x128x48xf32>, vector<32x128x48xf32>, vector<32x128x48xf32> -> vector<32x128x192xf32>
    %reshape3A = vector.shape_cast %concatenate3A : vector<32x128x192xf32> to vector<4096x192xf32>
    %get3A_27 = arith.constant 0 : index
    %get3A_28 = arith.constant 0 : index
    %get3A_29 = vector.load %arg3[%get3A_27, %get3A_28] : memref<192x128xf32, #tpu.memory_space<vmem>>, vector<192x128xf32>
    %dot_general3A = arith.constant dense<0.000000e+00> : vector<4096x128xf32>
    %dot_general3A_30 = tpu.matmul %reshape3A, %get3A_29, %dot_general3A {dimension_numbers = #tpu.dot_dimension_numbers<[1], [0], [0], [1], [0, 0, 1, 1], [], []>, transpose_lhs_hint = false} : vector<4096x192xf32>, vector<192x128xf32>, vector<4096x128xf32> -> vector<4096x128xf32>
    %get3A_31 = arith.constant 0 : index
    %get3A_32 = arith.constant 0 : index
    %get3A_33 = vector.load %arg4[%get3A_31, %get3A_32] : memref<1x128xf32, #tpu.memory_space<vmem>>, vector<1x128xf32>
    %get3A_34 = vector.shape_cast %get3A_33 : vector<1x128xf32> to vector<128xf32>
    %broadcast_in_dim3A = vector.shape_cast %get3A_34 : vector<128xf32> to vector<1x128xf32>
    %add3A = vector.broadcast %broadcast_in_dim3A : vector<1x128xf32> to vector<4096x128xf32>
    %add3A_35 = arith.addf %dot_general3A_30, %add3A : vector<4096x128xf32>
    %ge3A = arith.constant 0.000000e+00 : f32
    %ge3A_36 = vector.broadcast %ge3A : f32 to vector<4096x128xf32>
    %ge3A_37 = arith.cmpf oge, %add3A_35, %ge3A_36 : vector<4096x128xf32>
    %mul3A = arith.constant 0.00999999977 : f32
    %mul3A_38 = vector.broadcast %mul3A : f32 to vector<4096x128xf32>
    %mul3A_39 = arith.mulf %mul3A_38, %add3A_35 : vector<4096x128xf32>
    %select_n3A = arith.select %ge3A_37, %add3A_35, %mul3A_39 : vector<4096x128xi1>, vector<4096x128xf32>
    %reshape3A_40 = vector.shape_cast %select_n3A : vector<4096x128xf32> to vector<32x128x128xf32>
    %swap3A = arith.constant 0 : index
    %swap3A_41 = arith.constant 0 : index
    %swap3A_42 = arith.constant 0 : index
    %swap3A_43 = arith.constant 0 : index
    %swap3A_44 = vector.load %arg5[%swap3A, %swap3A_41, %swap3A_42, %swap3A_43] : memref<1x32x128x128xf32, #tpu.memory_space<vmem>>, vector<1x32x128x128xf32>
    %swap3A_45 = vector.shape_cast %swap3A_44 : vector<1x32x128x128xf32> to vector<32x128x128xf32>
    %swap3A_46 = vector.shape_cast %reshape3A_40 : vector<32x128x128xf32> to vector<1x32x128x128xf32>
    tpu.vector_store %arg5[%swap3A, %swap3A_41, %swap3A_42, %swap3A_43], %swap3A_46 {strides = array<i32>} : memref<1x32x128x128xf32, #tpu.memory_space<vmem>>, vector<1x32x128x128xf32>,
    return
  }
  func.func @transform_0(%arg0: i32, %arg1: i32) -> (i32, i32, i32, i32, i32) {
    %c0_i32 = arith.constant 0 : i32
    %c0_i32_0 = arith.constant 0 : i32
    %c0_i32_1 = arith.constant 0 : i32
    %c0_i32_2 = arith.constant 0 : i32
    return %arg0, %arg1, %c0_i32, %c0_i32_0, %c0_i32_1 : i32, i32, i32, i32, i32
  }
  func.func @transform_1(%arg0: i32, %arg1: i32) -> (i32, i32) {
    %c0_i32 = arith.constant 0 : i32
    %c0_i32_0 = arith.constant 0 : i32
    %c0_i32_1 = arith.constant 0 : i32
    return %c0_i32, %c0_i32_0 : i32, i32
  }
  func.func @transform_2(%arg0: i32, %arg1: i32) -> (i32, i32) {
    %c0_i32 = arith.constant 0 : i32
    %c0_i32_0 = arith.constant 0 : i32
    %c0_i32_1 = arith.constant 0 : i32
    return %c0_i32, %c0_i32_0 : i32, i32
  }
  func.func @transform_3(%arg0: i32, %arg1: i32) -> (i32, i32, i32, i32) {
    %c0_i32 = arith.constant 0 : i32
    %c0_i32_0 = arith.constant 0 : i32
    %c0_i32_1 = arith.constant 0 : i32
    return %arg0, %arg1, %c0_i32, %c0_i32_0 : i32, i32, i32, i32
  }
}

module attributes {stable_mosaic.version = 14 : i64} {
  func.func @body(%arg0: i32, %arg1: i32, %arg2: memref<1x1x33x129x128xf32, #tpu.memory_space<vmem>>, %arg3: memref<512x64xf32, #tpu.memory_space<vmem>>, %arg4: memref<1x64xf32, #tpu.memory_space<vmem>>, %arg5: memref<1x32x128x64xf32, #tpu.memory_space<vmem>>) attributes {dimension_semantics = [#tpu.dimension_semantics<arbitrary>, #tpu.dimension_semantics<arbitrary>], iteration_bounds = array<i64: 4, 4>, scalar_prefetch = 0 : i64, scratch_operands = 0 : i64, tpu.core_type = #tpu.core_type<tc>, window_params = [{transform_indices = @transform_0, window_bounds = array<i64: 1, 1, 33, 129, 128>}, {pipeline_mode = #tpu.pipeline_mode<synchronous>, transform_indices = @transform_1, window_bounds = array<i64: 512, 64>}, {pipeline_mode = #tpu.pipeline_mode<synchronous>, transform_indices = @transform_2, window_bounds = array<i64: 1, 64>}, {transform_indices = @transform_3, window_bounds = array<i64: 1, 32, 128, 64>}]} {
    %get3A = arith.constant 0 : index
    %get3A_0 = arith.constant 0 : index
    %get3A_1 = arith.constant 0 : index
    %get3A_2 = arith.constant 0 : index
    %get3A_3 = arith.constant 0 : index
    %get3A_4 = vector.load %arg2[%get3A, %get3A_0, %get3A_1, %get3A_2, %get3A_3] : memref<1x1x33x129x128xf32, #tpu.memory_space<vmem>>, vector<1x1x32x128x128xf32>
    %get3A_5 = vector.shape_cast %get3A_4 : vector<1x1x32x128x128xf32> to vector<32x128x128xf32>
    %reshape3A = vector.shape_cast %get3A_5 : vector<32x128x128xf32> to vector<4096x128xf32>
    %get3A_6 = arith.constant 0 : index
    %get3A_7 = arith.constant 0 : index
    %get3A_8 = vector.load %arg3[%get3A_6, %get3A_7] : memref<512x64xf32, #tpu.memory_space<vmem>>, vector<128x64xf32>
    %dot_general3A = arith.constant dense<0.000000e+00> : vector<4096x64xf32>
    %dot_general3A_9 = tpu.matmul %reshape3A, %get3A_8, %dot_general3A {dimension_numbers = #tpu.dot_dimension_numbers<[1], [0], [0], [1], [0, 0, 1, 1], [], []>, transpose_lhs_hint = false} : vector<4096x128xf32>, vector<128x64xf32>, vector<4096x64xf32> -> vector<4096x64xf32>
    %get3A_10 = arith.constant 0 : index
    %get3A_11 = arith.constant 0 : index
    %get3A_12 = arith.constant 0 : index
    %get3A_13 = arith.constant 1 : index
    %get3A_14 = arith.constant 0 : index
    %get3A_15 = vector.load %arg2[%get3A_10, %get3A_11, %get3A_12, %get3A_13, %get3A_14] : memref<1x1x33x129x128xf32, #tpu.memory_space<vmem>>, vector<1x1x32x128x128xf32>
    %get3A_16 = vector.shape_cast %get3A_15 : vector<1x1x32x128x128xf32> to vector<32x128x128xf32>
    %reshape3A_17 = vector.shape_cast %get3A_16 : vector<32x128x128xf32> to vector<4096x128xf32>
    %get3A_18 = arith.constant 128 : index
    %get3A_19 = arith.constant 0 : index
    %get3A_20 = vector.load %arg3[%get3A_18, %get3A_19] : memref<512x64xf32, #tpu.memory_space<vmem>>, vector<128x64xf32>
    %dot_general3A_21 = arith.constant dense<0.000000e+00> : vector<4096x64xf32>
    %dot_general3A_22 = tpu.matmul %reshape3A_17, %get3A_20, %dot_general3A_21 {dimension_numbers = #tpu.dot_dimension_numbers<[1], [0], [0], [1], [0, 0, 1, 1], [], []>, transpose_lhs_hint = false} : vector<4096x128xf32>, vector<128x64xf32>, vector<4096x64xf32> -> vector<4096x64xf32>
    %add3A = arith.addf %dot_general3A_9, %dot_general3A_22 : vector<4096x64xf32>
    %get3A_23 = arith.constant 0 : index
    %get3A_24 = arith.constant 0 : index
    %get3A_25 = arith.constant 1 : index
    %get3A_26 = arith.constant 0 : index
    %get3A_27 = arith.constant 0 : index
    %get3A_28 = vector.load %arg2[%get3A_23, %get3A_24, %get3A_25, %get3A_26, %get3A_27] : memref<1x1x33x129x128xf32, #tpu.memory_space<vmem>>, vector<1x1x32x128x128xf32>
    %get3A_29 = vector.shape_cast %get3A_28 : vector<1x1x32x128x128xf32> to vector<32x128x128xf32>
    %reshape3A_30 = vector.shape_cast %get3A_29 : vector<32x128x128xf32> to vector<4096x128xf32>
    %get3A_31 = arith.constant 256 : index
    %get3A_32 = arith.constant 0 : index
    %get3A_33 = vector.load %arg3[%get3A_31, %get3A_32] : memref<512x64xf32, #tpu.memory_space<vmem>>, vector<128x64xf32>
    %dot_general3A_34 = arith.constant dense<0.000000e+00> : vector<4096x64xf32>
    %dot_general3A_35 = tpu.matmul %reshape3A_30, %get3A_33, %dot_general3A_34 {dimension_numbers = #tpu.dot_dimension_numbers<[1], [0], [0], [1], [0, 0, 1, 1], [], []>, transpose_lhs_hint = false} : vector<4096x128xf32>, vector<128x64xf32>, vector<4096x64xf32> -> vector<4096x64xf32>
    %add3A_36 = arith.addf %add3A, %dot_general3A_35 : vector<4096x64xf32>
    %get3A_37 = arith.constant 0 : index
    %get3A_38 = arith.constant 0 : index
    %get3A_39 = arith.constant 1 : index
    %get3A_40 = arith.constant 1 : index
    %get3A_41 = arith.constant 0 : index
    %get3A_42 = vector.load %arg2[%get3A_37, %get3A_38, %get3A_39, %get3A_40, %get3A_41] : memref<1x1x33x129x128xf32, #tpu.memory_space<vmem>>, vector<1x1x32x128x128xf32>
    %get3A_43 = vector.shape_cast %get3A_42 : vector<1x1x32x128x128xf32> to vector<32x128x128xf32>
    %reshape3A_44 = vector.shape_cast %get3A_43 : vector<32x128x128xf32> to vector<4096x128xf32>
    %get3A_45 = arith.constant 384 : index
    %get3A_46 = arith.constant 0 : index
    %get3A_47 = vector.load %arg3[%get3A_45, %get3A_46] : memref<512x64xf32, #tpu.memory_space<vmem>>, vector<128x64xf32>
    %dot_general3A_48 = arith.constant dense<0.000000e+00> : vector<4096x64xf32>
    %dot_general3A_49 = tpu.matmul %reshape3A_44, %get3A_47, %dot_general3A_48 {dimension_numbers = #tpu.dot_dimension_numbers<[1], [0], [0], [1], [0, 0, 1, 1], [], []>, transpose_lhs_hint = false} : vector<4096x128xf32>, vector<128x64xf32>, vector<4096x64xf32> -> vector<4096x64xf32>
    %add3A_50 = arith.addf %add3A_36, %dot_general3A_49 : vector<4096x64xf32>
    %get3A_51 = arith.constant 0 : index
    %get3A_52 = arith.constant 0 : index
    %get3A_53 = vector.load %arg4[%get3A_51, %get3A_52] : memref<1x64xf32, #tpu.memory_space<vmem>>, vector<1x64xf32>
    %get3A_54 = vector.shape_cast %get3A_53 : vector<1x64xf32> to vector<64xf32>
    %broadcast_in_dim3A = vector.shape_cast %get3A_54 : vector<64xf32> to vector<1x64xf32>
    %add3A_55 = vector.broadcast %broadcast_in_dim3A : vector<1x64xf32> to vector<4096x64xf32>
    %add3A_56 = arith.addf %add3A_50, %add3A_55 : vector<4096x64xf32>
    %ge3A = arith.constant 0.000000e+00 : f32
    %ge3A_57 = vector.broadcast %ge3A : f32 to vector<4096x64xf32>
    %ge3A_58 = arith.cmpf oge, %add3A_56, %ge3A_57 : vector<4096x64xf32>
    %mul3A = arith.constant 0.00999999977 : f32
    %mul3A_59 = vector.broadcast %mul3A : f32 to vector<4096x64xf32>
    %mul3A_60 = arith.mulf %mul3A_59, %add3A_56 : vector<4096x64xf32>
    %select_n3A = arith.select %ge3A_58, %add3A_56, %mul3A_60 : vector<4096x64xi1>, vector<4096x64xf32>
    %reshape3A_61 = vector.shape_cast %select_n3A : vector<4096x64xf32> to vector<32x128x64xf32>
    %swap3A = arith.constant 0 : index
    %swap3A_62 = arith.constant 0 : index
    %swap3A_63 = arith.constant 0 : index
    %swap3A_64 = arith.constant 0 : index
    %swap3A_65 = vector.load %arg5[%swap3A, %swap3A_62, %swap3A_63, %swap3A_64] : memref<1x32x128x64xf32, #tpu.memory_space<vmem>>, vector<1x32x128x64xf32>
    %swap3A_66 = vector.shape_cast %swap3A_65 : vector<1x32x128x64xf32> to vector<32x128x64xf32>
    %swap3A_67 = vector.shape_cast %reshape3A_61 : vector<32x128x64xf32> to vector<1x32x128x64xf32>
    tpu.vector_store %arg5[%swap3A, %swap3A_62, %swap3A_63, %swap3A_64], %swap3A_67 {strides = array<i32>} : memref<1x32x128x64xf32, #tpu.memory_space<vmem>>, vector<1x32x128x64xf32>,
    return
  }
  func.func @transform_0(%arg0: i32, %arg1: i32) -> (i32, i32, i32, i32, i32) {
    %c0_i32 = arith.constant 0 : i32
    %c0_i32_0 = arith.constant 0 : i32
    %c0_i32_1 = arith.constant 0 : i32
    %c0_i32_2 = arith.constant 0 : i32
    return %arg0, %arg1, %c0_i32, %c0_i32_0, %c0_i32_1 : i32, i32, i32, i32, i32
  }
  func.func @transform_1(%arg0: i32, %arg1: i32) -> (i32, i32) {
    %c0_i32 = arith.constant 0 : i32
    %c0_i32_0 = arith.constant 0 : i32
    %c0_i32_1 = arith.constant 0 : i32
    return %c0_i32, %c0_i32_0 : i32, i32
  }
  func.func @transform_2(%arg0: i32, %arg1: i32) -> (i32, i32) {
    %c0_i32 = arith.constant 0 : i32
    %c0_i32_0 = arith.constant 0 : i32
    %c0_i32_1 = arith.constant 0 : i32
    return %c0_i32, %c0_i32_0 : i32, i32
  }
  func.func @transform_3(%arg0: i32, %arg1: i32) -> (i32, i32, i32, i32) {
    %c0_i32 = arith.constant 0 : i32
    %c0_i32_0 = arith.constant 0 : i32
    %c0_i32_1 = arith.constant 0 : i32
    return %arg0, %arg1, %c0_i32, %c0_i32_0 : i32, i32, i32, i32
  }
}

module attributes {stable_mosaic.version = 14 : i64} {
  func.func @body(%arg0: i32, %arg1: i32, %arg2: memref<1x1x33x65x256xf32, #tpu.memory_space<vmem>>, %arg3: memref<1024x64xf32, #tpu.memory_space<vmem>>, %arg4: memref<1x64xf32, #tpu.memory_space<vmem>>, %arg5: memref<1x32x64x64xf32, #tpu.memory_space<vmem>>) attributes {dimension_semantics = [#tpu.dimension_semantics<arbitrary>, #tpu.dimension_semantics<arbitrary>], iteration_bounds = array<i64: 4, 2>, scalar_prefetch = 0 : i64, scratch_operands = 0 : i64, tpu.core_type = #tpu.core_type<tc>, window_params = [{transform_indices = @transform_0, window_bounds = array<i64: 1, 1, 33, 65, 256>}, {pipeline_mode = #tpu.pipeline_mode<synchronous>, transform_indices = @transform_1, window_bounds = array<i64: 1024, 64>}, {pipeline_mode = #tpu.pipeline_mode<synchronous>, transform_indices = @transform_2, window_bounds = array<i64: 1, 64>}, {transform_indices = @transform_3, window_bounds = array<i64: 1, 32, 64, 64>}]} {
    %get3A = arith.constant 0 : index
    %get3A_0 = arith.constant 0 : index
    %get3A_1 = arith.constant 0 : index
    %get3A_2 = arith.constant 0 : index
    %get3A_3 = arith.constant 0 : index
    %get3A_4 = vector.load %arg2[%get3A, %get3A_0, %get3A_1, %get3A_2, %get3A_3] : memref<1x1x33x65x256xf32, #tpu.memory_space<vmem>>, vector<1x1x32x64x256xf32>
    %get3A_5 = vector.shape_cast %get3A_4 : vector<1x1x32x64x256xf32> to vector<32x64x256xf32>
    %reshape3A = vector.shape_cast %get3A_5 : vector<32x64x256xf32> to vector<2048x256xf32>
    %get3A_6 = arith.constant 0 : index
    %get3A_7 = arith.constant 0 : index
    %get3A_8 = vector.load %arg3[%get3A_6, %get3A_7] : memref<1024x64xf32, #tpu.memory_space<vmem>>, vector<256x64xf32>
    %dot_general3A = arith.constant dense<0.000000e+00> : vector<2048x64xf32>
    %dot_general3A_9 = tpu.matmul %reshape3A, %get3A_8, %dot_general3A {dimension_numbers = #tpu.dot_dimension_numbers<[1], [0], [0], [1], [0, 0, 1, 1], [], []>, transpose_lhs_hint = false} : vector<2048x256xf32>, vector<256x64xf32>, vector<2048x64xf32> -> vector<2048x64xf32>
    %get3A_10 = arith.constant 0 : index
    %get3A_11 = arith.constant 0 : index
    %get3A_12 = arith.constant 0 : index
    %get3A_13 = arith.constant 1 : index
    %get3A_14 = arith.constant 0 : index
    %get3A_15 = vector.load %arg2[%get3A_10, %get3A_11, %get3A_12, %get3A_13, %get3A_14] : memref<1x1x33x65x256xf32, #tpu.memory_space<vmem>>, vector<1x1x32x64x256xf32>
    %get3A_16 = vector.shape_cast %get3A_15 : vector<1x1x32x64x256xf32> to vector<32x64x256xf32>
    %reshape3A_17 = vector.shape_cast %get3A_16 : vector<32x64x256xf32> to vector<2048x256xf32>
    %get3A_18 = arith.constant 256 : index
    %get3A_19 = arith.constant 0 : index
    %get3A_20 = vector.load %arg3[%get3A_18, %get3A_19] : memref<1024x64xf32, #tpu.memory_space<vmem>>, vector<256x64xf32>
    %dot_general3A_21 = arith.constant dense<0.000000e+00> : vector<2048x64xf32>
    %dot_general3A_22 = tpu.matmul %reshape3A_17, %get3A_20, %dot_general3A_21 {dimension_numbers = #tpu.dot_dimension_numbers<[1], [0], [0], [1], [0, 0, 1, 1], [], []>, transpose_lhs_hint = false} : vector<2048x256xf32>, vector<256x64xf32>, vector<2048x64xf32> -> vector<2048x64xf32>
    %add3A = arith.addf %dot_general3A_9, %dot_general3A_22 : vector<2048x64xf32>
    %get3A_23 = arith.constant 0 : index
    %get3A_24 = arith.constant 0 : index
    %get3A_25 = arith.constant 1 : index
    %get3A_26 = arith.constant 0 : index
    %get3A_27 = arith.constant 0 : index
    %get3A_28 = vector.load %arg2[%get3A_23, %get3A_24, %get3A_25, %get3A_26, %get3A_27] : memref<1x1x33x65x256xf32, #tpu.memory_space<vmem>>, vector<1x1x32x64x256xf32>
    %get3A_29 = vector.shape_cast %get3A_28 : vector<1x1x32x64x256xf32> to vector<32x64x256xf32>
    %reshape3A_30 = vector.shape_cast %get3A_29 : vector<32x64x256xf32> to vector<2048x256xf32>
    %get3A_31 = arith.constant 512 : index
    %get3A_32 = arith.constant 0 : index
    %get3A_33 = vector.load %arg3[%get3A_31, %get3A_32] : memref<1024x64xf32, #tpu.memory_space<vmem>>, vector<256x64xf32>
    %dot_general3A_34 = arith.constant dense<0.000000e+00> : vector<2048x64xf32>
    %dot_general3A_35 = tpu.matmul %reshape3A_30, %get3A_33, %dot_general3A_34 {dimension_numbers = #tpu.dot_dimension_numbers<[1], [0], [0], [1], [0, 0, 1, 1], [], []>, transpose_lhs_hint = false} : vector<2048x256xf32>, vector<256x64xf32>, vector<2048x64xf32> -> vector<2048x64xf32>
    %add3A_36 = arith.addf %add3A, %dot_general3A_35 : vector<2048x64xf32>
    %get3A_37 = arith.constant 0 : index
    %get3A_38 = arith.constant 0 : index
    %get3A_39 = arith.constant 1 : index
    %get3A_40 = arith.constant 1 : index
    %get3A_41 = arith.constant 0 : index
    %get3A_42 = vector.load %arg2[%get3A_37, %get3A_38, %get3A_39, %get3A_40, %get3A_41] : memref<1x1x33x65x256xf32, #tpu.memory_space<vmem>>, vector<1x1x32x64x256xf32>
    %get3A_43 = vector.shape_cast %get3A_42 : vector<1x1x32x64x256xf32> to vector<32x64x256xf32>
    %reshape3A_44 = vector.shape_cast %get3A_43 : vector<32x64x256xf32> to vector<2048x256xf32>
    %get3A_45 = arith.constant 768 : index
    %get3A_46 = arith.constant 0 : index
    %get3A_47 = vector.load %arg3[%get3A_45, %get3A_46] : memref<1024x64xf32, #tpu.memory_space<vmem>>, vector<256x64xf32>
    %dot_general3A_48 = arith.constant dense<0.000000e+00> : vector<2048x64xf32>
    %dot_general3A_49 = tpu.matmul %reshape3A_44, %get3A_47, %dot_general3A_48 {dimension_numbers = #tpu.dot_dimension_numbers<[1], [0], [0], [1], [0, 0, 1, 1], [], []>, transpose_lhs_hint = false} : vector<2048x256xf32>, vector<256x64xf32>, vector<2048x64xf32> -> vector<2048x64xf32>
    %add3A_50 = arith.addf %add3A_36, %dot_general3A_49 : vector<2048x64xf32>
    %get3A_51 = arith.constant 0 : index
    %get3A_52 = arith.constant 0 : index
    %get3A_53 = vector.load %arg4[%get3A_51, %get3A_52] : memref<1x64xf32, #tpu.memory_space<vmem>>, vector<1x64xf32>
    %get3A_54 = vector.shape_cast %get3A_53 : vector<1x64xf32> to vector<64xf32>
    %broadcast_in_dim3A = vector.shape_cast %get3A_54 : vector<64xf32> to vector<1x64xf32>
    %add3A_55 = vector.broadcast %broadcast_in_dim3A : vector<1x64xf32> to vector<2048x64xf32>
    %add3A_56 = arith.addf %add3A_50, %add3A_55 : vector<2048x64xf32>
    %ge3A = arith.constant 0.000000e+00 : f32
    %ge3A_57 = vector.broadcast %ge3A : f32 to vector<2048x64xf32>
    %ge3A_58 = arith.cmpf oge, %add3A_56, %ge3A_57 : vector<2048x64xf32>
    %mul3A = arith.constant 0.00999999977 : f32
    %mul3A_59 = vector.broadcast %mul3A : f32 to vector<2048x64xf32>
    %mul3A_60 = arith.mulf %mul3A_59, %add3A_56 : vector<2048x64xf32>
    %select_n3A = arith.select %ge3A_58, %add3A_56, %mul3A_60 : vector<2048x64xi1>, vector<2048x64xf32>
    %reshape3A_61 = vector.shape_cast %select_n3A : vector<2048x64xf32> to vector<32x64x64xf32>
    %swap3A = arith.constant 0 : index
    %swap3A_62 = arith.constant 0 : index
    %swap3A_63 = arith.constant 0 : index
    %swap3A_64 = arith.constant 0 : index
    %swap3A_65 = vector.load %arg5[%swap3A, %swap3A_62, %swap3A_63, %swap3A_64] : memref<1x32x64x64xf32, #tpu.memory_space<vmem>>, vector<1x32x64x64xf32>
    %swap3A_66 = vector.shape_cast %swap3A_65 : vector<1x32x64x64xf32> to vector<32x64x64xf32>
    %swap3A_67 = vector.shape_cast %reshape3A_61 : vector<32x64x64xf32> to vector<1x32x64x64xf32>
    tpu.vector_store %arg5[%swap3A, %swap3A_62, %swap3A_63, %swap3A_64], %swap3A_67 {strides = array<i32>} : memref<1x32x64x64xf32, #tpu.memory_space<vmem>>, vector<1x32x64x64xf32>,
    return
  }
  func.func @transform_0(%arg0: i32, %arg1: i32) -> (i32, i32, i32, i32, i32) {
    %c0_i32 = arith.constant 0 : i32
    %c0_i32_0 = arith.constant 0 : i32
    %c0_i32_1 = arith.constant 0 : i32
    %c0_i32_2 = arith.constant 0 : i32
    return %arg0, %arg1, %c0_i32, %c0_i32_0, %c0_i32_1 : i32, i32, i32, i32, i32
  }
  func.func @transform_1(%arg0: i32, %arg1: i32) -> (i32, i32) {
    %c0_i32 = arith.constant 0 : i32
    %c0_i32_0 = arith.constant 0 : i32
    %c0_i32_1 = arith.constant 0 : i32
    return %c0_i32, %c0_i32_0 : i32, i32
  }
  func.func @transform_2(%arg0: i32, %arg1: i32) -> (i32, i32) {
    %c0_i32 = arith.constant 0 : i32
    %c0_i32_0 = arith.constant 0 : i32
    %c0_i32_1 = arith.constant 0 : i32
    return %c0_i32, %c0_i32_0 : i32, i32
  }
  func.func @transform_3(%arg0: i32, %arg1: i32) -> (i32, i32, i32, i32) {
    %c0_i32 = arith.constant 0 : i32
    %c0_i32_0 = arith.constant 0 : i32
    %c0_i32_1 = arith.constant 0 : i32
    return %arg0, %arg1, %c0_i32, %c0_i32_0 : i32, i32, i32, i32
  }
}

module attributes {stable_mosaic.version = 14 : i64} {
  func.func @body(%arg0: i32, %arg1: i32, %arg2: memref<1x16x64x64xf32, #tpu.memory_space<vmem>>, %arg3: memref<64x32xf32, #tpu.memory_space<vmem>>, %arg4: memref<1x32xf32, #tpu.memory_space<vmem>>, %arg5: memref<32x1024xf32, #tpu.memory_space<vmem>>, %arg6: memref<1x1x1x1024xi32, #tpu.memory_space<vmem>>) attributes {dimension_semantics = [#tpu.dimension_semantics<arbitrary>, #tpu.dimension_semantics<arbitrary>], iteration_bounds = array<i64: 4, 4>, scalar_prefetch = 0 : i64, scratch_operands = 0 : i64, tpu.core_type = #tpu.core_type<tc>, window_params = [{transform_indices = @transform_0, window_bounds = array<i64: 1, 16, 64, 64>}, {pipeline_mode = #tpu.pipeline_mode<synchronous>, transform_indices = @transform_1, window_bounds = array<i64: 64, 32>}, {pipeline_mode = #tpu.pipeline_mode<synchronous>, transform_indices = @transform_2, window_bounds = array<i64: 1, 32>}, {pipeline_mode = #tpu.pipeline_mode<synchronous>, transform_indices = @transform_3, window_bounds = array<i64: 32, 1024>}, {transform_indices = @transform_4, window_bounds = array<i64: 1, 1, 1, 1024>}]} {
    %get3A = arith.constant 0 : index
    %get3A_0 = arith.constant 0 : index
    %get3A_1 = arith.constant 0 : index
    %get3A_2 = arith.constant 0 : index
    %get3A_3 = vector.load %arg2[%get3A, %get3A_0, %get3A_1, %get3A_2] : memref<1x16x64x64xf32, #tpu.memory_space<vmem>>, vector<1x16x64x64xf32>
    %get3A_4 = vector.shape_cast %get3A_3 : vector<1x16x64x64xf32> to vector<16x64x64xf32>
    %reshape3A = vector.shape_cast %get3A_4 : vector<16x64x64xf32> to vector<1024x64xf32>
    %convert_element_type3A = arith.truncf %reshape3A : vector<1024x64xf32> to vector<1024x64xbf16>
    %get3A_5 = arith.constant 0 : index
    %get3A_6 = arith.constant 0 : index
    %get3A_7 = vector.load %arg3[%get3A_5, %get3A_6] : memref<64x32xf32, #tpu.memory_space<vmem>>, vector<64x32xf32>
    %convert_element_type3A_8 = arith.truncf %get3A_7 : vector<64x32xf32> to vector<64x32xbf16>
    %dot_general3A = arith.constant dense<0.000000e+00> : vector<1024x32xf32>
    %dot_general3A_9 = tpu.matmul %convert_element_type3A, %convert_element_type3A_8, %dot_general3A {dimension_numbers = #tpu.dot_dimension_numbers<[1], [0], [0], [1], [0, 0, 1, 1], [], []>, transpose_lhs_hint = false} : vector<1024x64xbf16>, vector<64x32xbf16>, vector<1024x32xf32> -> vector<1024x32xf32>
    %get3A_10 = arith.constant 0 : index
    %get3A_11 = arith.constant 0 : index
    %get3A_12 = vector.load %arg4[%get3A_10, %get3A_11] : memref<1x32xf32, #tpu.memory_space<vmem>>, vector<1x32xf32>
    %get3A_13 = vector.shape_cast %get3A_12 : vector<1x32xf32> to vector<32xf32>
    %broadcast_in_dim3A = vector.shape_cast %get3A_13 : vector<32xf32> to vector<1x32xf32>
    %add3A = vector.broadcast %broadcast_in_dim3A : vector<1x32xf32> to vector<1024x32xf32>
    %add3A_14 = arith.addf %dot_general3A_9, %add3A : vector<1024x32xf32>
    %get3A_15 = arith.constant 0 : index
    %get3A_16 = arith.constant 0 : index
    %get3A_17 = vector.load %arg5[%get3A_15, %get3A_16] : memref<32x1024xf32, #tpu.memory_space<vmem>>, vector<32x1024xf32>
    %convert_element_type3A_18 = arith.truncf %add3A_14 : vector<1024x32xf32> to vector<1024x32xbf16>
    %convert_element_type3A_19 = arith.truncf %get3A_17 : vector<32x1024xf32> to vector<32x1024xbf16>
    %dot_general3A_20 = arith.constant dense<0.000000e+00> : vector<1024x1024xf32>
    %dot_general3A_21 = tpu.matmul %convert_element_type3A_18, %convert_element_type3A_19, %dot_general3A_20 {dimension_numbers = #tpu.dot_dimension_numbers<[1], [0], [0], [1], [0, 0, 1, 1], [], []>, transpose_lhs_hint = false} : vector<1024x32xbf16>, vector<32x1024xbf16>, vector<1024x1024xf32> -> vector<1024x1024xf32>
    %mul3A = arith.mulf %add3A_14, %add3A_14 : vector<1024x32xf32>
    %reduce_sum3A = arith.constant dense<0.000000e+00> : vector<1024xf32>
    %reduce_sum3A_22 = vector.multi_reduction <add>, %mul3A, %reduce_sum3A [1] : vector<1024x32xf32> to vector<1024xf32>
    %broadcast_in_dim3A_23 = vector.shape_cast %reduce_sum3A_22 : vector<1024xf32> to vector<1024x1xf32>
    %mul3A_24 = arith.mulf %get3A_17, %get3A_17 : vector<32x1024xf32>
    %reduce_sum3A_25 = arith.constant dense<0.000000e+00> : vector<1024xf32>
    %reduce_sum3A_26 = vector.multi_reduction <add>, %mul3A_24, %reduce_sum3A_25 [0] : vector<32x1024xf32> to vector<1024xf32>
    %broadcast_in_dim3A_27 = vector.shape_cast %reduce_sum3A_26 : vector<1024xf32> to vector<1x1024xf32>
    %add3A_28 = vector.broadcast %broadcast_in_dim3A_23 : vector<1024x1xf32> to vector<1024x1024xf32>
    %add3A_29 = vector.broadcast %broadcast_in_dim3A_27 : vector<1x1024xf32> to vector<1024x1024xf32>
    %add3A_30 = arith.addf %add3A_28, %add3A_29 : vector<1024x1024xf32>
    %mul3A_31 = arith.constant 2.000000e+00 : f32
    %mul3A_32 = vector.broadcast %mul3A_31 : f32 to vector<1024x1024xf32>
    %mul3A_33 = arith.mulf %mul3A_32, %dot_general3A_21 : vector<1024x1024xf32>
    %sub3A = arith.subf %add3A_30, %mul3A_33 : vector<1024x1024xf32>
    %reduce_min3A = arith.constant dense<0x7F800000> : vector<1024xf32>
    %reduce_min3A_34 = vector.multi_reduction <minimumf>, %sub3A, %reduce_min3A [1] : vector<1024x1024xf32> to vector<1024xf32>
    %broadcast_in_dim3A_35 = vector.shape_cast %reduce_min3A_34 : vector<1024xf32> to vector<1024x1xf32>
    %iota3A = tpu.iota {dimensions = array<i32: 1>} : vector<1024x1024xi32>
    %le3A = vector.broadcast %broadcast_in_dim3A_35 : vector<1024x1xf32> to vector<1024x1024xf32>
    %le3A_36 = arith.cmpf ole, %sub3A, %le3A : vector<1024x1024xf32>
    %jit3A = arith.constant 1024 : i32
    %broadcast_in_dim3A_37 = vector.broadcast %jit3A : i32 to vector<1024x1024xi32>
    %select_n3A = arith.select %le3A_36, %iota3A, %broadcast_in_dim3A_37 : vector<1024x1024xi1>, vector<1024x1024xi32>
    %reduce_min3A_38 = arith.constant dense<2147483647> : vector<1024xi32>
    %reduce_min3A_39 = vector.multi_reduction <minsi>, %select_n3A, %reduce_min3A_38 [1] : vector<1024x1024xi32> to vector<1024xi32>
    %swap3A = arith.constant 0 : index
    %swap3A_40 = arith.constant 0 : index
    %swap3A_41 = arith.constant 0 : index
    %swap3A_42 = arith.constant 0 : index
    %swap3A_43 = vector.load %arg6[%swap3A, %swap3A_40, %swap3A_41, %swap3A_42] : memref<1x1x1x1024xi32, #tpu.memory_space<vmem>>, vector<1x1x1x1024xi32>
    %swap3A_44 = vector.shape_cast %swap3A_43 : vector<1x1x1x1024xi32> to vector<1024xi32>
    %swap3A_45 = vector.shape_cast %reduce_min3A_39 : vector<1024xi32> to vector<1x1x1x1024xi32>
    tpu.vector_store %arg6[%swap3A, %swap3A_40, %swap3A_41, %swap3A_42], %swap3A_45 {strides = array<i32>} : memref<1x1x1x1024xi32, #tpu.memory_space<vmem>>, vector<1x1x1x1024xi32>,
    return
  }
  func.func @transform_0(%arg0: i32, %arg1: i32) -> (i32, i32, i32, i32) {
    %c0_i32 = arith.constant 0 : i32
    %c0_i32_0 = arith.constant 0 : i32
    %c0_i32_1 = arith.constant 0 : i32
    return %arg0, %arg1, %c0_i32, %c0_i32_0 : i32, i32, i32, i32
  }
  func.func @transform_1(%arg0: i32, %arg1: i32) -> (i32, i32) {
    %c0_i32 = arith.constant 0 : i32
    %c0_i32_0 = arith.constant 0 : i32
    %c0_i32_1 = arith.constant 0 : i32
    return %c0_i32, %c0_i32_0 : i32, i32
  }
  func.func @transform_2(%arg0: i32, %arg1: i32) -> (i32, i32) {
    %c0_i32 = arith.constant 0 : i32
    %c0_i32_0 = arith.constant 0 : i32
    %c0_i32_1 = arith.constant 0 : i32
    return %c0_i32, %c0_i32_0 : i32, i32
  }
  func.func @transform_3(%arg0: i32, %arg1: i32) -> (i32, i32) {
    %c0_i32 = arith.constant 0 : i32
    %c0_i32_0 = arith.constant 0 : i32
    %c0_i32_1 = arith.constant 0 : i32
    return %c0_i32, %c0_i32_0 : i32, i32
  }
  func.func @transform_4(%arg0: i32, %arg1: i32) -> (i32, i32, i32, i32) {
    %c0_i32 = arith.constant 0 : i32
    %c0_i32_0 = arith.constant 0 : i32
    %c0_i32_1 = arith.constant 0 : i32
    return %arg0, %arg1, %c0_i32, %c0_i32_0 : i32, i32, i32, i32
  }
}

module attributes {stable_mosaic.version = 14 : i64} {
  func.func @body(%arg0: i32, %arg1: i32, %arg2: memref<1x1x33x65x32xf32, #tpu.memory_space<vmem>>, %arg3: memref<128x256xf32, #tpu.memory_space<vmem>>, %arg4: memref<1x256xf32, #tpu.memory_space<vmem>>, %arg5: memref<1x32x64x256xf32, #tpu.memory_space<vmem>>) attributes {dimension_semantics = [#tpu.dimension_semantics<arbitrary>, #tpu.dimension_semantics<arbitrary>], iteration_bounds = array<i64: 4, 2>, scalar_prefetch = 0 : i64, scratch_operands = 0 : i64, tpu.core_type = #tpu.core_type<tc>, window_params = [{transform_indices = @transform_0, window_bounds = array<i64: 1, 1, 33, 65, 32>}, {pipeline_mode = #tpu.pipeline_mode<synchronous>, transform_indices = @transform_1, window_bounds = array<i64: 128, 256>}, {pipeline_mode = #tpu.pipeline_mode<synchronous>, transform_indices = @transform_2, window_bounds = array<i64: 1, 256>}, {transform_indices = @transform_3, window_bounds = array<i64: 1, 32, 64, 256>}]} {
    %get3A = arith.constant 0 : index
    %get3A_0 = arith.constant 0 : index
    %get3A_1 = arith.constant 0 : index
    %get3A_2 = arith.constant 0 : index
    %get3A_3 = arith.constant 0 : index
    %get3A_4 = vector.load %arg2[%get3A, %get3A_0, %get3A_1, %get3A_2, %get3A_3] : memref<1x1x33x65x32xf32, #tpu.memory_space<vmem>>, vector<1x1x32x64x32xf32>
    %get3A_5 = vector.shape_cast %get3A_4 : vector<1x1x32x64x32xf32> to vector<32x64x32xf32>
    %get3A_6 = arith.constant 0 : index
    %get3A_7 = arith.constant 0 : index
    %get3A_8 = arith.constant 0 : index
    %get3A_9 = arith.constant 1 : index
    %get3A_10 = arith.constant 0 : index
    %get3A_11 = vector.load %arg2[%get3A_6, %get3A_7, %get3A_8, %get3A_9, %get3A_10] : memref<1x1x33x65x32xf32, #tpu.memory_space<vmem>>, vector<1x1x32x64x32xf32>
    %get3A_12 = vector.shape_cast %get3A_11 : vector<1x1x32x64x32xf32> to vector<32x64x32xf32>
    %get3A_13 = arith.constant 0 : index
    %get3A_14 = arith.constant 0 : index
    %get3A_15 = arith.constant 1 : index
    %get3A_16 = arith.constant 0 : index
    %get3A_17 = arith.constant 0 : index
    %get3A_18 = vector.load %arg2[%get3A_13, %get3A_14, %get3A_15, %get3A_16, %get3A_17] : memref<1x1x33x65x32xf32, #tpu.memory_space<vmem>>, vector<1x1x32x64x32xf32>
    %get3A_19 = vector.shape_cast %get3A_18 : vector<1x1x32x64x32xf32> to vector<32x64x32xf32>
    %get3A_20 = arith.constant 0 : index
    %get3A_21 = arith.constant 0 : index
    %get3A_22 = arith.constant 1 : index
    %get3A_23 = arith.constant 1 : index
    %get3A_24 = arith.constant 0 : index
    %get3A_25 = vector.load %arg2[%get3A_20, %get3A_21, %get3A_22, %get3A_23, %get3A_24] : memref<1x1x33x65x32xf32, #tpu.memory_space<vmem>>, vector<1x1x32x64x32xf32>
    %get3A_26 = vector.shape_cast %get3A_25 : vector<1x1x32x64x32xf32> to vector<32x64x32xf32>
    %concatenate3A = tpu.concatenate %get3A_5, %get3A_12, %get3A_19, %get3A_26 in 2 : vector<32x64x32xf32>, vector<32x64x32xf32>, vector<32x64x32xf32>, vector<32x64x32xf32> -> vector<32x64x128xf32>
    %reshape3A = vector.shape_cast %concatenate3A : vector<32x64x128xf32> to vector<2048x128xf32>
    %convert_element_type3A = arith.truncf %reshape3A : vector<2048x128xf32> to vector<2048x128xbf16>
    %get3A_27 = arith.constant 0 : index
    %get3A_28 = arith.constant 0 : index
    %get3A_29 = vector.load %arg3[%get3A_27, %get3A_28] : memref<128x256xf32, #tpu.memory_space<vmem>>, vector<128x256xf32>
    %convert_element_type3A_30 = arith.truncf %get3A_29 : vector<128x256xf32> to vector<128x256xbf16>
    %dot_general3A = arith.constant dense<0.000000e+00> : vector<2048x256xf32>
    %dot_general3A_31 = tpu.matmul %convert_element_type3A, %convert_element_type3A_30, %dot_general3A {dimension_numbers = #tpu.dot_dimension_numbers<[1], [0], [0], [1], [0, 0, 1, 1], [], []>, transpose_lhs_hint = false} : vector<2048x128xbf16>, vector<128x256xbf16>, vector<2048x256xf32> -> vector<2048x256xf32>
    %get3A_32 = arith.constant 0 : index
    %get3A_33 = arith.constant 0 : index
    %get3A_34 = vector.load %arg4[%get3A_32, %get3A_33] : memref<1x256xf32, #tpu.memory_space<vmem>>, vector<1x256xf32>
    %get3A_35 = vector.shape_cast %get3A_34 : vector<1x256xf32> to vector<256xf32>
    %broadcast_in_dim3A = vector.shape_cast %get3A_35 : vector<256xf32> to vector<1x256xf32>
    %add3A = vector.broadcast %broadcast_in_dim3A : vector<1x256xf32> to vector<2048x256xf32>
    %add3A_36 = arith.addf %dot_general3A_31, %add3A : vector<2048x256xf32>
    %ge3A = arith.constant 0.000000e+00 : f32
    %ge3A_37 = vector.broadcast %ge3A : f32 to vector<2048x256xf32>
    %ge3A_38 = arith.cmpf oge, %add3A_36, %ge3A_37 : vector<2048x256xf32>
    %mul3A = arith.constant 0.00999999977 : f32
    %mul3A_39 = vector.broadcast %mul3A : f32 to vector<2048x256xf32>
    %mul3A_40 = arith.mulf %mul3A_39, %add3A_36 : vector<2048x256xf32>
    %select_n3A = arith.select %ge3A_38, %add3A_36, %mul3A_40 : vector<2048x256xi1>, vector<2048x256xf32>
    %reshape3A_41 = vector.shape_cast %select_n3A : vector<2048x256xf32> to vector<32x64x256xf32>
    %swap3A = arith.constant 0 : index
    %swap3A_42 = arith.constant 0 : index
    %swap3A_43 = arith.constant 0 : index
    %swap3A_44 = arith.constant 0 : index
    %swap3A_45 = vector.load %arg5[%swap3A, %swap3A_42, %swap3A_43, %swap3A_44] : memref<1x32x64x256xf32, #tpu.memory_space<vmem>>, vector<1x32x64x256xf32>
    %swap3A_46 = vector.shape_cast %swap3A_45 : vector<1x32x64x256xf32> to vector<32x64x256xf32>
    %swap3A_47 = vector.shape_cast %reshape3A_41 : vector<32x64x256xf32> to vector<1x32x64x256xf32>
    tpu.vector_store %arg5[%swap3A, %swap3A_42, %swap3A_43, %swap3A_44], %swap3A_47 {strides = array<i32>} : memref<1x32x64x256xf32, #tpu.memory_space<vmem>>, vector<1x32x64x256xf32>,
    return
  }
  func.func @transform_0(%arg0: i32, %arg1: i32) -> (i32, i32, i32, i32, i32) {
    %c0_i32 = arith.constant 0 : i32
    %c0_i32_0 = arith.constant 0 : i32
    %c0_i32_1 = arith.constant 0 : i32
    %c0_i32_2 = arith.constant 0 : i32
    return %arg0, %arg1, %c0_i32, %c0_i32_0, %c0_i32_1 : i32, i32, i32, i32, i32
  }
  func.func @transform_1(%arg0: i32, %arg1: i32) -> (i32, i32) {
    %c0_i32 = arith.constant 0 : i32
    %c0_i32_0 = arith.constant 0 : i32
    %c0_i32_1 = arith.constant 0 : i32
    return %c0_i32, %c0_i32_0 : i32, i32
  }
  func.func @transform_2(%arg0: i32, %arg1: i32) -> (i32, i32) {
    %c0_i32 = arith.constant 0 : i32
    %c0_i32_0 = arith.constant 0 : i32
    %c0_i32_1 = arith.constant 0 : i32
    return %c0_i32, %c0_i32_0 : i32, i32
  }
  func.func @transform_3(%arg0: i32, %arg1: i32) -> (i32, i32, i32, i32) {
    %c0_i32 = arith.constant 0 : i32
    %c0_i32_0 = arith.constant 0 : i32
    %c0_i32_1 = arith.constant 0 : i32
    return %arg0, %arg1, %c0_i32, %c0_i32_0 : i32, i32, i32, i32
  }
}

module attributes {stable_mosaic.version = 14 : i64} {
  func.func @body(%arg0: i32, %arg1: i32, %arg2: memref<1x1x33x129x64xf32, #tpu.memory_space<vmem>>, %arg3: memref<256x256xf32, #tpu.memory_space<vmem>>, %arg4: memref<1x256xf32, #tpu.memory_space<vmem>>, %arg5: memref<1x32x128x256xf32, #tpu.memory_space<vmem>>) attributes {dimension_semantics = [#tpu.dimension_semantics<arbitrary>, #tpu.dimension_semantics<arbitrary>], iteration_bounds = array<i64: 4, 4>, scalar_prefetch = 0 : i64, scratch_operands = 0 : i64, tpu.core_type = #tpu.core_type<tc>, window_params = [{transform_indices = @transform_0, window_bounds = array<i64: 1, 1, 33, 129, 64>}, {pipeline_mode = #tpu.pipeline_mode<synchronous>, transform_indices = @transform_1, window_bounds = array<i64: 256, 256>}, {pipeline_mode = #tpu.pipeline_mode<synchronous>, transform_indices = @transform_2, window_bounds = array<i64: 1, 256>}, {transform_indices = @transform_3, window_bounds = array<i64: 1, 32, 128, 256>}]} {
    %get3A = arith.constant 0 : index
    %get3A_0 = arith.constant 0 : index
    %get3A_1 = arith.constant 0 : index
    %get3A_2 = arith.constant 0 : index
    %get3A_3 = arith.constant 0 : index
    %get3A_4 = vector.load %arg2[%get3A, %get3A_0, %get3A_1, %get3A_2, %get3A_3] : memref<1x1x33x129x64xf32, #tpu.memory_space<vmem>>, vector<1x1x32x128x64xf32>
    %get3A_5 = vector.shape_cast %get3A_4 : vector<1x1x32x128x64xf32> to vector<32x128x64xf32>
    %get3A_6 = arith.constant 0 : index
    %get3A_7 = arith.constant 0 : index
    %get3A_8 = arith.constant 0 : index
    %get3A_9 = arith.constant 1 : index
    %get3A_10 = arith.constant 0 : index
    %get3A_11 = vector.load %arg2[%get3A_6, %get3A_7, %get3A_8, %get3A_9, %get3A_10] : memref<1x1x33x129x64xf32, #tpu.memory_space<vmem>>, vector<1x1x32x128x64xf32>
    %get3A_12 = vector.shape_cast %get3A_11 : vector<1x1x32x128x64xf32> to vector<32x128x64xf32>
    %get3A_13 = arith.constant 0 : index
    %get3A_14 = arith.constant 0 : index
    %get3A_15 = arith.constant 1 : index
    %get3A_16 = arith.constant 0 : index
    %get3A_17 = arith.constant 0 : index
    %get3A_18 = vector.load %arg2[%get3A_13, %get3A_14, %get3A_15, %get3A_16, %get3A_17] : memref<1x1x33x129x64xf32, #tpu.memory_space<vmem>>, vector<1x1x32x128x64xf32>
    %get3A_19 = vector.shape_cast %get3A_18 : vector<1x1x32x128x64xf32> to vector<32x128x64xf32>
    %get3A_20 = arith.constant 0 : index
    %get3A_21 = arith.constant 0 : index
    %get3A_22 = arith.constant 1 : index
    %get3A_23 = arith.constant 1 : index
    %get3A_24 = arith.constant 0 : index
    %get3A_25 = vector.load %arg2[%get3A_20, %get3A_21, %get3A_22, %get3A_23, %get3A_24] : memref<1x1x33x129x64xf32, #tpu.memory_space<vmem>>, vector<1x1x32x128x64xf32>
    %get3A_26 = vector.shape_cast %get3A_25 : vector<1x1x32x128x64xf32> to vector<32x128x64xf32>
    %concatenate3A = tpu.concatenate %get3A_5, %get3A_12, %get3A_19, %get3A_26 in 2 : vector<32x128x64xf32>, vector<32x128x64xf32>, vector<32x128x64xf32>, vector<32x128x64xf32> -> vector<32x128x256xf32>
    %reshape3A = vector.shape_cast %concatenate3A : vector<32x128x256xf32> to vector<4096x256xf32>
    %convert_element_type3A = arith.truncf %reshape3A : vector<4096x256xf32> to vector<4096x256xbf16>
    %get3A_27 = arith.constant 0 : index
    %get3A_28 = arith.constant 0 : index
    %get3A_29 = vector.load %arg3[%get3A_27, %get3A_28] : memref<256x256xf32, #tpu.memory_space<vmem>>, vector<256x256xf32>
    %convert_element_type3A_30 = arith.truncf %get3A_29 : vector<256x256xf32> to vector<256x256xbf16>
    %dot_general3A = arith.constant dense<0.000000e+00> : vector<4096x256xf32>
    %dot_general3A_31 = tpu.matmul %convert_element_type3A, %convert_element_type3A_30, %dot_general3A {dimension_numbers = #tpu.dot_dimension_numbers<[1], [0], [0], [1], [0, 0, 1, 1], [], []>, transpose_lhs_hint = false} : vector<4096x256xbf16>, vector<256x256xbf16>, vector<4096x256xf32> -> vector<4096x256xf32>
    %get3A_32 = arith.constant 0 : index
    %get3A_33 = arith.constant 0 : index
    %get3A_34 = vector.load %arg4[%get3A_32, %get3A_33] : memref<1x256xf32, #tpu.memory_space<vmem>>, vector<1x256xf32>
    %get3A_35 = vector.shape_cast %get3A_34 : vector<1x256xf32> to vector<256xf32>
    %broadcast_in_dim3A = vector.shape_cast %get3A_35 : vector<256xf32> to vector<1x256xf32>
    %add3A = vector.broadcast %broadcast_in_dim3A : vector<1x256xf32> to vector<4096x256xf32>
    %add3A_36 = arith.addf %dot_general3A_31, %add3A : vector<4096x256xf32>
    %ge3A = arith.constant 0.000000e+00 : f32
    %ge3A_37 = vector.broadcast %ge3A : f32 to vector<4096x256xf32>
    %ge3A_38 = arith.cmpf oge, %add3A_36, %ge3A_37 : vector<4096x256xf32>
    %mul3A = arith.constant 0.00999999977 : f32
    %mul3A_39 = vector.broadcast %mul3A : f32 to vector<4096x256xf32>
    %mul3A_40 = arith.mulf %mul3A_39, %add3A_36 : vector<4096x256xf32>
    %select_n3A = arith.select %ge3A_38, %add3A_36, %mul3A_40 : vector<4096x256xi1>, vector<4096x256xf32>
    %reshape3A_41 = vector.shape_cast %select_n3A : vector<4096x256xf32> to vector<32x128x256xf32>
    %swap3A = arith.constant 0 : index
    %swap3A_42 = arith.constant 0 : index
    %swap3A_43 = arith.constant 0 : index
    %swap3A_44 = arith.constant 0 : index
    %swap3A_45 = vector.load %arg5[%swap3A, %swap3A_42, %swap3A_43, %swap3A_44] : memref<1x32x128x256xf32, #tpu.memory_space<vmem>>, vector<1x32x128x256xf32>
    %swap3A_46 = vector.shape_cast %swap3A_45 : vector<1x32x128x256xf32> to vector<32x128x256xf32>
    %swap3A_47 = vector.shape_cast %reshape3A_41 : vector<32x128x256xf32> to vector<1x32x128x256xf32>
    tpu.vector_store %arg5[%swap3A, %swap3A_42, %swap3A_43, %swap3A_44], %swap3A_47 {strides = array<i32>} : memref<1x32x128x256xf32, #tpu.memory_space<vmem>>, vector<1x32x128x256xf32>,
    return
  }
  func.func @transform_0(%arg0: i32, %arg1: i32) -> (i32, i32, i32, i32, i32) {
    %c0_i32 = arith.constant 0 : i32
    %c0_i32_0 = arith.constant 0 : i32
    %c0_i32_1 = arith.constant 0 : i32
    %c0_i32_2 = arith.constant 0 : i32
    return %arg0, %arg1, %c0_i32, %c0_i32_0, %c0_i32_1 : i32, i32, i32, i32, i32
  }
  func.func @transform_1(%arg0: i32, %arg1: i32) -> (i32, i32) {
    %c0_i32 = arith.constant 0 : i32
    %c0_i32_0 = arith.constant 0 : i32
    %c0_i32_1 = arith.constant 0 : i32
    return %c0_i32, %c0_i32_0 : i32, i32
  }
  func.func @transform_2(%arg0: i32, %arg1: i32) -> (i32, i32) {
    %c0_i32 = arith.constant 0 : i32
    %c0_i32_0 = arith.constant 0 : i32
    %c0_i32_1 = arith.constant 0 : i32
    return %c0_i32, %c0_i32_0 : i32, i32
  }
  func.func @transform_3(%arg0: i32, %arg1: i32) -> (i32, i32, i32, i32) {
    %c0_i32 = arith.constant 0 : i32
    %c0_i32_0 = arith.constant 0 : i32
    %c0_i32_1 = arith.constant 0 : i32
    return %arg0, %arg1, %c0_i32, %c0_i32_0 : i32, i32, i32, i32
  }
}

module attributes {stable_mosaic.version = 14 : i64} {
  func.func @body(%arg0: i32, %arg1: i32, %arg2: memref<1x1x17x257x64xf32, #tpu.memory_space<vmem>>, %arg3: memref<256x128xf32, #tpu.memory_space<vmem>>, %arg4: memref<1x128xf32, #tpu.memory_space<vmem>>, %arg5: memref<1x16x256x128xf32, #tpu.memory_space<vmem>>) attributes {dimension_semantics = [#tpu.dimension_semantics<arbitrary>, #tpu.dimension_semantics<arbitrary>], iteration_bounds = array<i64: 4, 16>, scalar_prefetch = 0 : i64, scratch_operands = 0 : i64, tpu.core_type = #tpu.core_type<tc>, window_params = [{transform_indices = @transform_0, window_bounds = array<i64: 1, 1, 17, 257, 64>}, {pipeline_mode = #tpu.pipeline_mode<synchronous>, transform_indices = @transform_1, window_bounds = array<i64: 256, 128>}, {pipeline_mode = #tpu.pipeline_mode<synchronous>, transform_indices = @transform_2, window_bounds = array<i64: 1, 128>}, {transform_indices = @transform_3, window_bounds = array<i64: 1, 16, 256, 128>}]} {
    %get3A = arith.constant 0 : index
    %get3A_0 = arith.constant 0 : index
    %get3A_1 = arith.constant 0 : index
    %get3A_2 = arith.constant 0 : index
    %get3A_3 = arith.constant 0 : index
    %get3A_4 = vector.load %arg2[%get3A, %get3A_0, %get3A_1, %get3A_2, %get3A_3] : memref<1x1x17x257x64xf32, #tpu.memory_space<vmem>>, vector<1x1x16x256x64xf32>
    %get3A_5 = vector.shape_cast %get3A_4 : vector<1x1x16x256x64xf32> to vector<16x256x64xf32>
    %get3A_6 = arith.constant 0 : index
    %get3A_7 = arith.constant 0 : index
    %get3A_8 = arith.constant 0 : index
    %get3A_9 = arith.constant 1 : index
    %get3A_10 = arith.constant 0 : index
    %get3A_11 = vector.load %arg2[%get3A_6, %get3A_7, %get3A_8, %get3A_9, %get3A_10] : memref<1x1x17x257x64xf32, #tpu.memory_space<vmem>>, vector<1x1x16x256x64xf32>
    %get3A_12 = vector.shape_cast %get3A_11 : vector<1x1x16x256x64xf32> to vector<16x256x64xf32>
    %get3A_13 = arith.constant 0 : index
    %get3A_14 = arith.constant 0 : index
    %get3A_15 = arith.constant 1 : index
    %get3A_16 = arith.constant 0 : index
    %get3A_17 = arith.constant 0 : index
    %get3A_18 = vector.load %arg2[%get3A_13, %get3A_14, %get3A_15, %get3A_16, %get3A_17] : memref<1x1x17x257x64xf32, #tpu.memory_space<vmem>>, vector<1x1x16x256x64xf32>
    %get3A_19 = vector.shape_cast %get3A_18 : vector<1x1x16x256x64xf32> to vector<16x256x64xf32>
    %get3A_20 = arith.constant 0 : index
    %get3A_21 = arith.constant 0 : index
    %get3A_22 = arith.constant 1 : index
    %get3A_23 = arith.constant 1 : index
    %get3A_24 = arith.constant 0 : index
    %get3A_25 = vector.load %arg2[%get3A_20, %get3A_21, %get3A_22, %get3A_23, %get3A_24] : memref<1x1x17x257x64xf32, #tpu.memory_space<vmem>>, vector<1x1x16x256x64xf32>
    %get3A_26 = vector.shape_cast %get3A_25 : vector<1x1x16x256x64xf32> to vector<16x256x64xf32>
    %concatenate3A = tpu.concatenate %get3A_5, %get3A_12, %get3A_19, %get3A_26 in 2 : vector<16x256x64xf32>, vector<16x256x64xf32>, vector<16x256x64xf32>, vector<16x256x64xf32> -> vector<16x256x256xf32>
    %reshape3A = vector.shape_cast %concatenate3A : vector<16x256x256xf32> to vector<4096x256xf32>
    %convert_element_type3A = arith.truncf %reshape3A : vector<4096x256xf32> to vector<4096x256xbf16>
    %get3A_27 = arith.constant 0 : index
    %get3A_28 = arith.constant 0 : index
    %get3A_29 = vector.load %arg3[%get3A_27, %get3A_28] : memref<256x128xf32, #tpu.memory_space<vmem>>, vector<256x128xf32>
    %convert_element_type3A_30 = arith.truncf %get3A_29 : vector<256x128xf32> to vector<256x128xbf16>
    %dot_general3A = arith.constant dense<0.000000e+00> : vector<4096x128xf32>
    %dot_general3A_31 = tpu.matmul %convert_element_type3A, %convert_element_type3A_30, %dot_general3A {dimension_numbers = #tpu.dot_dimension_numbers<[1], [0], [0], [1], [0, 0, 1, 1], [], []>, transpose_lhs_hint = false} : vector<4096x256xbf16>, vector<256x128xbf16>, vector<4096x128xf32> -> vector<4096x128xf32>
    %get3A_32 = arith.constant 0 : index
    %get3A_33 = arith.constant 0 : index
    %get3A_34 = vector.load %arg4[%get3A_32, %get3A_33] : memref<1x128xf32, #tpu.memory_space<vmem>>, vector<1x128xf32>
    %get3A_35 = vector.shape_cast %get3A_34 : vector<1x128xf32> to vector<128xf32>
    %broadcast_in_dim3A = vector.shape_cast %get3A_35 : vector<128xf32> to vector<1x128xf32>
    %add3A = vector.broadcast %broadcast_in_dim3A : vector<1x128xf32> to vector<4096x128xf32>
    %add3A_36 = arith.addf %dot_general3A_31, %add3A : vector<4096x128xf32>
    %ge3A = arith.constant 0.000000e+00 : f32
    %ge3A_37 = vector.broadcast %ge3A : f32 to vector<4096x128xf32>
    %ge3A_38 = arith.cmpf oge, %add3A_36, %ge3A_37 : vector<4096x128xf32>
    %mul3A = arith.constant 0.00999999977 : f32
    %mul3A_39 = vector.broadcast %mul3A : f32 to vector<4096x128xf32>
    %mul3A_40 = arith.mulf %mul3A_39, %add3A_36 : vector<4096x128xf32>
    %select_n3A = arith.select %ge3A_38, %add3A_36, %mul3A_40 : vector<4096x128xi1>, vector<4096x128xf32>
    %reshape3A_41 = vector.shape_cast %select_n3A : vector<4096x128xf32> to vector<16x256x128xf32>
    %swap3A = arith.constant 0 : index
    %swap3A_42 = arith.constant 0 : index
    %swap3A_43 = arith.constant 0 : index
    %swap3A_44 = arith.constant 0 : index
    %swap3A_45 = vector.load %arg5[%swap3A, %swap3A_42, %swap3A_43, %swap3A_44] : memref<1x16x256x128xf32, #tpu.memory_space<vmem>>, vector<1x16x256x128xf32>
    %swap3A_46 = vector.shape_cast %swap3A_45 : vector<1x16x256x128xf32> to vector<16x256x128xf32>
    %swap3A_47 = vector.shape_cast %reshape3A_41 : vector<16x256x128xf32> to vector<1x16x256x128xf32>
    tpu.vector_store %arg5[%swap3A, %swap3A_42, %swap3A_43, %swap3A_44], %swap3A_47 {strides = array<i32>} : memref<1x16x256x128xf32, #tpu.memory_space<vmem>>, vector<1x16x256x128xf32>,
    return
  }
  func.func @transform_0(%arg0: i32, %arg1: i32) -> (i32, i32, i32, i32, i32) {
    %c0_i32 = arith.constant 0 : i32
    %c0_i32_0 = arith.constant 0 : i32
    %c0_i32_1 = arith.constant 0 : i32
    %c0_i32_2 = arith.constant 0 : i32
    return %arg0, %arg1, %c0_i32, %c0_i32_0, %c0_i32_1 : i32, i32, i32, i32, i32
  }
  func.func @transform_1(%arg0: i32, %arg1: i32) -> (i32, i32) {
    %c0_i32 = arith.constant 0 : i32
    %c0_i32_0 = arith.constant 0 : i32
    %c0_i32_1 = arith.constant 0 : i32
    return %c0_i32, %c0_i32_0 : i32, i32
  }
  func.func @transform_2(%arg0: i32, %arg1: i32) -> (i32, i32) {
    %c0_i32 = arith.constant 0 : i32
    %c0_i32_0 = arith.constant 0 : i32
    %c0_i32_1 = arith.constant 0 : i32
    return %c0_i32, %c0_i32_0 : i32, i32
  }
  func.func @transform_3(%arg0: i32, %arg1: i32) -> (i32, i32, i32, i32) {
    %c0_i32 = arith.constant 0 : i32
    %c0_i32_0 = arith.constant 0 : i32
    %c0_i32_1 = arith.constant 0 : i32
    return %arg0, %arg1, %c0_i32, %c0_i32_0 : i32, i32, i32, i32
  }
}

module attributes {stable_mosaic.version = 14 : i64} {
  func.func @body(%arg0: i32, %arg1: i32, %arg2: memref<1x1x34x514x32xf32, #tpu.memory_space<vmem>>, %arg3: memref<9x32xf32, #tpu.memory_space<vmem>>, %arg4: memref<1x1xf32, #tpu.memory_space<vmem>>, %arg5: memref<1x32x512xf32, #tpu.memory_space<vmem>>) attributes {dimension_semantics = [#tpu.dimension_semantics<arbitrary>, #tpu.dimension_semantics<arbitrary>], iteration_bounds = array<i64: 4, 16>, scalar_prefetch = 0 : i64, scratch_operands = 0 : i64, tpu.core_type = #tpu.core_type<tc>, window_params = [{transform_indices = @transform_0, window_bounds = array<i64: 1, 1, 34, 514, 32>}, {pipeline_mode = #tpu.pipeline_mode<synchronous>, transform_indices = @transform_1, window_bounds = array<i64: 9, 32>}, {pipeline_mode = #tpu.pipeline_mode<synchronous>, transform_indices = @transform_2, window_bounds = array<i64: 1, 1>}, {transform_indices = @transform_3, window_bounds = array<i64: 1, 32, 512>}]} {
    %broadcast_in_dim3A = arith.constant 0.000000e+00 : f32
    %broadcast_in_dim3A_0 = vector.broadcast %broadcast_in_dim3A : f32 to vector<32x512x32xf32>
    %get3A = arith.constant 0 : index
    %get3A_1 = arith.constant 0 : index
    %get3A_2 = arith.constant 0 : index
    %get3A_3 = arith.constant 0 : index
    %get3A_4 = arith.constant 0 : index
    %get3A_5 = vector.load %arg2[%get3A, %get3A_1, %get3A_2, %get3A_3, %get3A_4] : memref<1x1x34x514x32xf32, #tpu.memory_space<vmem>>, vector<1x1x32x512x32xf32>
    %get3A_6 = vector.shape_cast %get3A_5 : vector<1x1x32x512x32xf32> to vector<32x512x32xf32>
    %get3A_7 = arith.constant 0 : index
    %get3A_8 = arith.constant 0 : index
    %get3A_9 = vector.load %arg3[%get3A_7, %get3A_8] : memref<9x32xf32, #tpu.memory_space<vmem>>, vector<1x32xf32>
    %get3A_10 = vector.shape_cast %get3A_9 : vector<1x32xf32> to vector<32xf32>
    %broadcast_in_dim3A_11 = vector.shape_cast %get3A_10 : vector<32xf32> to vector<1x1x32xf32>
    %mul3A = vector.broadcast %broadcast_in_dim3A_11 : vector<1x1x32xf32> to vector<32x512x32xf32>
    %mul3A_12 = arith.mulf %get3A_6, %mul3A : vector<32x512x32xf32>
    %add3A = arith.addf %broadcast_in_dim3A_0, %mul3A_12 : vector<32x512x32xf32>
    %get3A_13 = arith.constant 0 : index
    %get3A_14 = arith.constant 0 : index
    %get3A_15 = arith.constant 0 : index
    %get3A_16 = arith.constant 1 : index
    %get3A_17 = arith.constant 0 : index
    %get3A_18 = vector.load %arg2[%get3A_13, %get3A_14, %get3A_15, %get3A_16, %get3A_17] : memref<1x1x34x514x32xf32, #tpu.memory_space<vmem>>, vector<1x1x32x512x32xf32>
    %get3A_19 = vector.shape_cast %get3A_18 : vector<1x1x32x512x32xf32> to vector<32x512x32xf32>
    %get3A_20 = arith.constant 1 : index
    %get3A_21 = arith.constant 0 : index
    %get3A_22 = vector.load %arg3[%get3A_20, %get3A_21] : memref<9x32xf32, #tpu.memory_space<vmem>>, vector<1x32xf32>
    %get3A_23 = vector.shape_cast %get3A_22 : vector<1x32xf32> to vector<32xf32>
    %broadcast_in_dim3A_24 = vector.shape_cast %get3A_23 : vector<32xf32> to vector<1x1x32xf32>
    %mul3A_25 = vector.broadcast %broadcast_in_dim3A_24 : vector<1x1x32xf32> to vector<32x512x32xf32>
    %mul3A_26 = arith.mulf %get3A_19, %mul3A_25 : vector<32x512x32xf32>
    %add3A_27 = arith.addf %add3A, %mul3A_26 : vector<32x512x32xf32>
    %get3A_28 = arith.constant 0 : index
    %get3A_29 = arith.constant 0 : index
    %get3A_30 = arith.constant 0 : index
    %get3A_31 = arith.constant 2 : index
    %get3A_32 = arith.constant 0 : index
    %get3A_33 = vector.load %arg2[%get3A_28, %get3A_29, %get3A_30, %get3A_31, %get3A_32] : memref<1x1x34x514x32xf32, #tpu.memory_space<vmem>>, vector<1x1x32x512x32xf32>
    %get3A_34 = vector.shape_cast %get3A_33 : vector<1x1x32x512x32xf32> to vector<32x512x32xf32>
    %get3A_35 = arith.constant 2 : index
    %get3A_36 = arith.constant 0 : index
    %get3A_37 = vector.load %arg3[%get3A_35, %get3A_36] : memref<9x32xf32, #tpu.memory_space<vmem>>, vector<1x32xf32>
    %get3A_38 = vector.shape_cast %get3A_37 : vector<1x32xf32> to vector<32xf32>
    %broadcast_in_dim3A_39 = vector.shape_cast %get3A_38 : vector<32xf32> to vector<1x1x32xf32>
    %mul3A_40 = vector.broadcast %broadcast_in_dim3A_39 : vector<1x1x32xf32> to vector<32x512x32xf32>
    %mul3A_41 = arith.mulf %get3A_34, %mul3A_40 : vector<32x512x32xf32>
    %add3A_42 = arith.addf %add3A_27, %mul3A_41 : vector<32x512x32xf32>
    %get3A_43 = arith.constant 0 : index
    %get3A_44 = arith.constant 0 : index
    %get3A_45 = arith.constant 1 : index
    %get3A_46 = arith.constant 0 : index
    %get3A_47 = arith.constant 0 : index
    %get3A_48 = vector.load %arg2[%get3A_43, %get3A_44, %get3A_45, %get3A_46, %get3A_47] : memref<1x1x34x514x32xf32, #tpu.memory_space<vmem>>, vector<1x1x32x512x32xf32>
    %get3A_49 = vector.shape_cast %get3A_48 : vector<1x1x32x512x32xf32> to vector<32x512x32xf32>
    %get3A_50 = arith.constant 3 : index
    %get3A_51 = arith.constant 0 : index
    %get3A_52 = vector.load %arg3[%get3A_50, %get3A_51] : memref<9x32xf32, #tpu.memory_space<vmem>>, vector<1x32xf32>
    %get3A_53 = vector.shape_cast %get3A_52 : vector<1x32xf32> to vector<32xf32>
    %broadcast_in_dim3A_54 = vector.shape_cast %get3A_53 : vector<32xf32> to vector<1x1x32xf32>
    %mul3A_55 = vector.broadcast %broadcast_in_dim3A_54 : vector<1x1x32xf32> to vector<32x512x32xf32>
    %mul3A_56 = arith.mulf %get3A_49, %mul3A_55 : vector<32x512x32xf32>
    %add3A_57 = arith.addf %add3A_42, %mul3A_56 : vector<32x512x32xf32>
    %get3A_58 = arith.constant 0 : index
    %get3A_59 = arith.constant 0 : index
    %get3A_60 = arith.constant 1 : index
    %get3A_61 = arith.constant 1 : index
    %get3A_62 = arith.constant 0 : index
    %get3A_63 = vector.load %arg2[%get3A_58, %get3A_59, %get3A_60, %get3A_61, %get3A_62] : memref<1x1x34x514x32xf32, #tpu.memory_space<vmem>>, vector<1x1x32x512x32xf32>
    %get3A_64 = vector.shape_cast %get3A_63 : vector<1x1x32x512x32xf32> to vector<32x512x32xf32>
    %get3A_65 = arith.constant 4 : index
    %get3A_66 = arith.constant 0 : index
    %get3A_67 = vector.load %arg3[%get3A_65, %get3A_66] : memref<9x32xf32, #tpu.memory_space<vmem>>, vector<1x32xf32>
    %get3A_68 = vector.shape_cast %get3A_67 : vector<1x32xf32> to vector<32xf32>
    %broadcast_in_dim3A_69 = vector.shape_cast %get3A_68 : vector<32xf32> to vector<1x1x32xf32>
    %mul3A_70 = vector.broadcast %broadcast_in_dim3A_69 : vector<1x1x32xf32> to vector<32x512x32xf32>
    %mul3A_71 = arith.mulf %get3A_64, %mul3A_70 : vector<32x512x32xf32>
    %add3A_72 = arith.addf %add3A_57, %mul3A_71 : vector<32x512x32xf32>
    %get3A_73 = arith.constant 0 : index
    %get3A_74 = arith.constant 0 : index
    %get3A_75 = arith.constant 1 : index
    %get3A_76 = arith.constant 2 : index
    %get3A_77 = arith.constant 0 : index
    %get3A_78 = vector.load %arg2[%get3A_73, %get3A_74, %get3A_75, %get3A_76, %get3A_77] : memref<1x1x34x514x32xf32, #tpu.memory_space<vmem>>, vector<1x1x32x512x32xf32>
    %get3A_79 = vector.shape_cast %get3A_78 : vector<1x1x32x512x32xf32> to vector<32x512x32xf32>
    %get3A_80 = arith.constant 5 : index
    %get3A_81 = arith.constant 0 : index
    %get3A_82 = vector.load %arg3[%get3A_80, %get3A_81] : memref<9x32xf32, #tpu.memory_space<vmem>>, vector<1x32xf32>
    %get3A_83 = vector.shape_cast %get3A_82 : vector<1x32xf32> to vector<32xf32>
    %broadcast_in_dim3A_84 = vector.shape_cast %get3A_83 : vector<32xf32> to vector<1x1x32xf32>
    %mul3A_85 = vector.broadcast %broadcast_in_dim3A_84 : vector<1x1x32xf32> to vector<32x512x32xf32>
    %mul3A_86 = arith.mulf %get3A_79, %mul3A_85 : vector<32x512x32xf32>
    %add3A_87 = arith.addf %add3A_72, %mul3A_86 : vector<32x512x32xf32>
    %get3A_88 = arith.constant 0 : index
    %get3A_89 = arith.constant 0 : index
    %get3A_90 = arith.constant 2 : index
    %get3A_91 = arith.constant 0 : index
    %get3A_92 = arith.constant 0 : index
    %get3A_93 = vector.load %arg2[%get3A_88, %get3A_89, %get3A_90, %get3A_91, %get3A_92] : memref<1x1x34x514x32xf32, #tpu.memory_space<vmem>>, vector<1x1x32x512x32xf32>
    %get3A_94 = vector.shape_cast %get3A_93 : vector<1x1x32x512x32xf32> to vector<32x512x32xf32>
    %get3A_95 = arith.constant 6 : index
    %get3A_96 = arith.constant 0 : index
    %get3A_97 = vector.load %arg3[%get3A_95, %get3A_96] : memref<9x32xf32, #tpu.memory_space<vmem>>, vector<1x32xf32>
    %get3A_98 = vector.shape_cast %get3A_97 : vector<1x32xf32> to vector<32xf32>
    %broadcast_in_dim3A_99 = vector.shape_cast %get3A_98 : vector<32xf32> to vector<1x1x32xf32>
    %mul3A_100 = vector.broadcast %broadcast_in_dim3A_99 : vector<1x1x32xf32> to vector<32x512x32xf32>
    %mul3A_101 = arith.mulf %get3A_94, %mul3A_100 : vector<32x512x32xf32>
    %add3A_102 = arith.addf %add3A_87, %mul3A_101 : vector<32x512x32xf32>
    %get3A_103 = arith.constant 0 : index
    %get3A_104 = arith.constant 0 : index
    %get3A_105 = arith.constant 2 : index
    %get3A_106 = arith.constant 1 : index
    %get3A_107 = arith.constant 0 : index
    %get3A_108 = vector.load %arg2[%get3A_103, %get3A_104, %get3A_105, %get3A_106, %get3A_107] : memref<1x1x34x514x32xf32, #tpu.memory_space<vmem>>, vector<1x1x32x512x32xf32>
    %get3A_109 = vector.shape_cast %get3A_108 : vector<1x1x32x512x32xf32> to vector<32x512x32xf32>
    %get3A_110 = arith.constant 7 : index
    %get3A_111 = arith.constant 0 : index
    %get3A_112 = vector.load %arg3[%get3A_110, %get3A_111] : memref<9x32xf32, #tpu.memory_space<vmem>>, vector<1x32xf32>
    %get3A_113 = vector.shape_cast %get3A_112 : vector<1x32xf32> to vector<32xf32>
    %broadcast_in_dim3A_114 = vector.shape_cast %get3A_113 : vector<32xf32> to vector<1x1x32xf32>
    %mul3A_115 = vector.broadcast %broadcast_in_dim3A_114 : vector<1x1x32xf32> to vector<32x512x32xf32>
    %mul3A_116 = arith.mulf %get3A_109, %mul3A_115 : vector<32x512x32xf32>
    %add3A_117 = arith.addf %add3A_102, %mul3A_116 : vector<32x512x32xf32>
    %get3A_118 = arith.constant 0 : index
    %get3A_119 = arith.constant 0 : index
    %get3A_120 = arith.constant 2 : index
    %get3A_121 = arith.constant 2 : index
    %get3A_122 = arith.constant 0 : index
    %get3A_123 = vector.load %arg2[%get3A_118, %get3A_119, %get3A_120, %get3A_121, %get3A_122] : memref<1x1x34x514x32xf32, #tpu.memory_space<vmem>>, vector<1x1x32x512x32xf32>
    %get3A_124 = vector.shape_cast %get3A_123 : vector<1x1x32x512x32xf32> to vector<32x512x32xf32>
    %get3A_125 = arith.constant 8 : index
    %get3A_126 = arith.constant 0 : index
    %get3A_127 = vector.load %arg3[%get3A_125, %get3A_126] : memref<9x32xf32, #tpu.memory_space<vmem>>, vector<1x32xf32>
    %get3A_128 = vector.shape_cast %get3A_127 : vector<1x32xf32> to vector<32xf32>
    %broadcast_in_dim3A_129 = vector.shape_cast %get3A_128 : vector<32xf32> to vector<1x1x32xf32>
    %mul3A_130 = vector.broadcast %broadcast_in_dim3A_129 : vector<1x1x32xf32> to vector<32x512x32xf32>
    %mul3A_131 = arith.mulf %get3A_124, %mul3A_130 : vector<32x512x32xf32>
    %add3A_132 = arith.addf %add3A_117, %mul3A_131 : vector<32x512x32xf32>
    %reduce_sum3A = arith.constant dense<0.000000e+00> : vector<32x512xf32>
    %reduce_sum3A_133 = vector.multi_reduction <add>, %add3A_132, %reduce_sum3A [2] : vector<32x512x32xf32> to vector<32x512xf32>
    %get3A_134 = arith.constant 0 : index
    %get3A_135 = arith.constant 0 : index
    %get3A_136 = vector.load %arg4[%get3A_134, %get3A_135] : memref<1x1xf32, #tpu.memory_space<vmem>>, vector<1x1xf32>
    %get3A_137 = vector.extract %get3A_136[0, 0] : f32 from vector<1x1xf32>
    %add3A_138 = vector.broadcast %get3A_137 : f32 to vector<32x512xf32>
    %add3A_139 = arith.addf %reduce_sum3A_133, %add3A_138 : vector<32x512xf32>
    %swap3A = arith.constant 0 : index
    %swap3A_140 = arith.constant 0 : index
    %swap3A_141 = arith.constant 0 : index
    %swap3A_142 = vector.load %arg5[%swap3A, %swap3A_140, %swap3A_141] : memref<1x32x512xf32, #tpu.memory_space<vmem>>, vector<1x32x512xf32>
    %swap3A_143 = vector.shape_cast %swap3A_142 : vector<1x32x512xf32> to vector<32x512xf32>
    %swap3A_144 = vector.shape_cast %add3A_139 : vector<32x512xf32> to vector<1x32x512xf32>
    tpu.vector_store %arg5[%swap3A, %swap3A_140, %swap3A_141], %swap3A_144 {strides = array<i32>} : memref<1x32x512xf32, #tpu.memory_space<vmem>>, vector<1x32x512xf32>,
    return
  }
  func.func @transform_0(%arg0: i32, %arg1: i32) -> (i32, i32, i32, i32, i32) {
    %c0_i32 = arith.constant 0 : i32
    %c0_i32_0 = arith.constant 0 : i32
    %c0_i32_1 = arith.constant 0 : i32
    %c0_i32_2 = arith.constant 0 : i32
    return %arg0, %arg1, %c0_i32, %c0_i32_0, %c0_i32_1 : i32, i32, i32, i32, i32
  }
  func.func @transform_1(%arg0: i32, %arg1: i32) -> (i32, i32) {
    %c0_i32 = arith.constant 0 : i32
    %c0_i32_0 = arith.constant 0 : i32
    %c0_i32_1 = arith.constant 0 : i32
    return %c0_i32, %c0_i32_0 : i32, i32
  }
  func.func @transform_2(%arg0: i32, %arg1: i32) -> (i32, i32) {
    %c0_i32 = arith.constant 0 : i32
    %c0_i32_0 = arith.constant 0 : i32
    %c0_i32_1 = arith.constant 0 : i32
    return %c0_i32, %c0_i32_0 : i32, i32
  }
  func.func @transform_3(%arg0: i32, %arg1: i32) -> (i32, i32, i32) {
    %c0_i32 = arith.constant 0 : i32
    %c0_i32_0 = arith.constant 0 : i32
    return %arg0, %arg1, %c0_i32 : i32, i32, i32
  }
}

</mosaic_0001>

<sc_bundles>
// kernel: kernel.11.cloned.1.call-start
scs
__scs_entry_jumppad:
0x0: {  	(pc) =	sbr.rel $0x88, $3  }
0x1: {  	(tag) =	ssettag $0x0;
	lr =	simm.s32 $0x1  }
0x2: {  	[smem:$0x3F8F] =	sst lr;
	_ =	strace $0xD0000000  }
0x3: {  	_ = 	snop  }
0x4: {  	_ = 	snop  }
0x5: {  	_ = 	snop  }
0x6: {  	_ = 	snop  }
0x7: {  	_ = 	snop  }
__scs_overlays_trampoline_lowered:
0x8: {  	[smem:$0x3F9E] =	sst s0  }
0x9: {  	[smem:$0x3F9F] =	sst s1  }
0xa: {  	[smem:$0x3FA0] =	sst s2  }
0xb: {  	[smem:$0x3FA1] =	sst s3  }
0xc: {  	[smem:$0x3FA2] =	sst s4  }
0xd: {  	[smem:$0x3FA3] =	sst s5  }
0xe: {  	[smem:$0x3FA4] =	sst s6  }
0xf: {  	[smem:$0x3FA5] =	sst s7  }
0x10: {  	[smem:$0x3FA6] =	sst s8  }
0x11: {  	[smem:$0x3FA7] =	sst s9;
	s0 =	simm.s32 @!p0 $0x0  }
0x12: {  	s1 =	sld [smem:$0x3F8D];
	s0 =	simm.s32 @p0 $0x1  }
0x13: {  	[smem:$0x3FA8] =	sst s0;
	s0 =	simm.s32 @!p1 $0x0  }
0x14: {  	s2 =	sld [smem:$0x3F8C];
	s0 =	simm.s32 @p1 $0x1  }
0x15: {  	[smem:$0x3FA9] =	sst s0;
	s0 =	simm.s32 @!p2 $0x0  }
0x16: {  	s3 =	sld [smem:$0x3FDB];
	s0 =	simm.s32 @p2 $0x1  }
0x17: {  	s4 =	simm.s32 $0x1BF5;
	[smem:$0x3FAB] =	sst s0  }
0x18: {  	s0 =	sld [smem:$0x3F8E];
	_ =	swait.ge [sflag:s4], $0x0  }
0x19: {  	s7 =	sld [smem:$0x3F8F]  }
0x1a: {  	s8 =	sadd.s32 $0xFFFFE003, lr  }
0x1b: {  	s9 =	sadd.s32 $0xFFFFFEF7, lr;
	s5 =	simm.s32 $0xFFFFFFFF;
	p2 =	slt.u32 s8, $0xFFFFF086  }
0x1c: {  	p1 =	slt.u32 s9, $0xF7A;
	s5 =	simm.s32 @!p2 $0x0  }
0x1d: {  	s5 =	simm.s32 @p1 $0x1;
	p0 =	seq.s32 s7, s2  }
0x1e: {  	s7 =	smul.u32 @!p0 $0xF7A, s2;
	p2 =	seq.s32 @!p0 s5, $0x0  }
0x1f: {  	s9 =	smul.u32 $0xF7A, s1;
	s8 =	simm.s32 @!p0 $0x1BF5;
	p2 =	por !p2, p0  }
0x20: {  	[sflag:s8] =	ssyncset.s32 @!p0 $0xFFFFF086;
	s6 =	sadd.s32 @!p0 s3, s7;
	s7 =	simm.s32 @!p0 $0x108  }
0x21: {  	s3 =	sadd.s32 s3, s9;
	s6 =	sadd.s32 @!p0 $0x88, s6;
	s7 =	simm.s32 @p2 $0x1082  }
0x22: {  	[simem:s7], [sflag:s8] =	dma.local @!p0 [hbm:s6], $0xF7A  }
0x23: {  	s9 =	sor.u32 $0xD0000000, s2;
	s6 =	simm.s32 $0x108;
	_ =	swait.ge @!p0 [sflag:s8], $0x0  }
0x24: {  	s3 =	sadd.s32 $0x88, s3;
	s6 =	simm.s32 @!p1 $0x1082;
	[sflag:s4] =	ssyncset.s32 $0xFFFFF086  }
0x25: {  	[simem:s6], [sflag:s4] =	dma.local [hbm:s3], $0xF7A  }
0x26: {  	[smem:$0x3F8F] =	sst s1;
	(tag) =	ssettag s2;
	_ =	strace s9  }
0x27: {  	s1 =	sld [smem:$0x3F9F]  }
0x28: {  	s2 =	sld [smem:$0x3FA0]  }
0x29: {  	s4 =	sld [smem:$0x3FA2]  }
0x2a: {  	p0 =	seq.s32 s5, $0x0;
	s5 =	sld [smem:$0x3FA3]  }
0x2b: {  	s6 =	sld [smem:$0x3FA4]  }
0x2c: {  	s7 =	sld [smem:$0x3FA5]  }
0x2d: {  	s3 =	simm.s32 $0x108;
	s8 =	sld [smem:$0x3FA6]  }
0x2e: {  	s3 =	simm.s32 @!p0 $0x1082;
	s9 =	sld [smem:$0x3FA7]  }
0x2f: {  	lr =	sadd.s32 s0, s3;
	s0 =	sld [smem:$0x3F9E]  }
0x30: {  	s3 =	sld [smem:$0x3FA1]  }
0x31: {  	[smem:$0x3FAA] =	sst s10  }
0x32: {  	s10 =	sld [smem:$0x3FA8];
	_ =	sdelay $0x3  }
0x33: {  	p0 =	seq.s32 s10, $0x1;
	s10 =	sld [smem:$0x3FAA];
	_ =	sdelay $0x3  }
0x34: {  	[smem:$0x3FAA] =	sst s10  }
0x35: {  	s10 =	sld [smem:$0x3FA9];
	_ =	sdelay $0x3  }
0x36: {  	p1 =	seq.s32 s10, $0x1;
	s10 =	sld [smem:$0x3FAA];
	_ =	sdelay $0x3  }
0x37: {  	[smem:$0x3FAA] =	sst s10  }
0x38: {  	s10 =	sld [smem:$0x3FAB]  }
0x39: {  	_ = 	snop;
	(pc) =	sbr.ind lr, $3  }
0x3a: {  	_ = 	snop  }
0x3b: {  	_ = 	snop  }
0x3c: {  	p2 =	seq.s32 s10, $0x1;
	s10 =	sld [smem:$0x3FAA]  }
0x3d: {  	_ =	shalt  }
0x3e: {  	_ =	shalt  }
0x3f: {  	_ =	shalt  }
0x40: {  	_ =	shalt  }
0x41: {  	_ =	shalt  }
0x42: {  	_ =	shalt  }
0x43: {  	_ =	shalt  }
0x44: {  	_ =	shalt  }
0x45: {  	_ =	shalt  }
0x46: {  	_ =	shalt  }
0x47: {  	_ =	shalt  }
0x48: {  	_ =	shalt  }
0x49: {  	_ =	shalt  }
0x4a: {  	_ =	shalt  }
0x4b: {  	_ =	shalt  }
0x4c: {  	_ =	shalt  }
0x4d: {  	_ =	shalt  }
0x4e: {  	_ =	shalt  }
0x4f: {  	_ =	shalt  }
0x50: {  	_ =	shalt  }
0x51: {  	_ =	shalt  }
0x52: {  	_ =	shalt  }
0x53: {  	_ =	shalt  }
0x54: {  	_ =	shalt  }
0x55: {  	_ =	shalt  }
0x56: {  	_ =	shalt  }
0x57: {  	_ =	shalt  }
0x58: {  	_ =	shalt  }
0x59: {  	_ =	shalt  }
0x5a: {  	_ =	shalt  }
0x5b: {  	_ =	shalt  }
0x5c: {  	_ =	shalt  }
0x5d: {  	_ =	shalt  }
0x5e: {  	_ =	shalt  }
0x5f: {  	_ =	shalt  }
0x60: {  	_ =	shalt  }
0x61: {  	_ =	shalt  }
0x62: {  	_ =	shalt  }
0x63: {  	_ =	shalt  }
0x64: {  	_ =	shalt  }
0x65: {  	_ =	shalt  }
0x66: {  	_ =	shalt  }
0x67: {  	_ =	shalt  }
0x68: {  	_ =	shalt  }
0x69: {  	_ =	shalt  }
0x6a: {  	_ =	shalt  }
0x6b: {  	_ =	shalt  }
0x6c: {  	_ =	shalt  }
0x6d: {  	_ =	shalt  }
0x6e: {  	_ =	shalt  }
0x6f: {  	_ =	shalt  }
0x70: {  	_ =	shalt  }
0x71: {  	_ =	shalt  }
0x72: {  	_ =	shalt  }
0x73: {  	_ =	shalt  }
0x74: {  	_ =	shalt  }
0x75: {  	_ =	shalt  }
0x76: {  	_ =	shalt  }
0x77: {  	_ =	shalt  }
0x78: {  	_ =	shalt  }
0x79: {  	_ =	shalt  }
0x7a: {  	_ =	shalt  }
0x7b: {  	_ =	shalt  }
0x7c: {  	_ =	shalt  }
0x7d: {  	_ =	shalt  }
0x7e: {  	_ =	shalt  }
0x7f: {  	_ =	shalt  }
0x80: {  	_ =	shalt  }
0x81: {  	_ =	shalt  }
0x82: {  	_ =	shalt  }
0x83: {  	_ =	shalt  }
0x84: {  	_ =	shalt  }
0x85: {  	_ =	shalt  }
0x86: {  	_ =	shalt  }
0x87: {  	_ =	shalt  }
.Lfunc_end0:
.L_simem_size_0:
called_computation.5_lowered:
.L_overlay_start_0:
0x88: {  	s2 =	sld [smem:$0x3FD9]  }
0x89: {  	s3 =	sld [smem:$0x3FFE];
	_ =	sdelay $0x1  }
0x8a: {  	s1 =	srdreg.scid  }
0x8b: {  	s0 =	sand.u32 $0x1, s1  }
0x8c: {  	s17 =	sshll.u32 s0, $0xA;
	s2 =	sadd.s32 s3, s2  }
0x8d: {  	s2 =	sadd.s32 s2, s17  }
0x8e: {  	[smem:$0x3FB6] =	sst s2  }
0x8f: {  	_ = 	snop  }
0x90: {  	s2 =	sld [smem:$0x3FD0];
	(tm) =	ssettm $0x1  }
0x91: {  	s18 =	sld [smem:$0x3FFB];
	_ =	sdelay $0x3  }
0x92: {  	_ =	strace s18  }
0x93: {  	s3 =	sld [smem:$0x3FFC];
	_ =	sdelay $0x3  }
0x94: {  	_ =	strace s3  }
0x95: {  	s3 =	sld [smem:$0x3FFD];
	_ =	sdelay $0x3  }
0x96: {  	_ =	strace s3  }
0x97: {  	_ =	strace $0x8FFFFFFF  }
0x98: {  	s19 =	sld [smem:$0x3FDB];
	_ =	sdelay $0x1  }
0x99: {  	s4 =	simm.s32 $_scs_section_size  }
0x9a: {  	s5 =	simm.s32 $_size__tile_overlayer_lowered;
	s6 =	simm.s32 $_tile_overlayer_lowered  }
0x9b: {  	s22 =	simm.s32 $0x1BFF;
	s21 =	sshll.u32 s6, $0x1;
	s3 =	sadd.s32 s4, s19  }
0x9c: {  	s7 =	simm.s32 $0x0;
	s20 =	sshll.u32 s5, $0x1;
	s5 =	sadd.s32 s21, s3  }
0x9d: {  	[timem:s7], [sflag:s22] =	dma.local [hbm:s5], s20  }
0x9e: {  	_ =	swait.ge [sflag:s22], s20  }
0x9f: {  	s4 =	ssub.s32 $0x0, s20;
	[sflag:s22] =	ssyncset.done $0x0  }
0xa0: {  	[sflag:s22] =	ssyncadd.s32 s4;
	_ =	sdelay $0x1  }
0xa1: {  	s23 =	simm.s32 $0x1B8B  }
0xa2: {  	_ =	swait.ge [sflag:s23], $0x1  }
0xa3: {  	[sflag:s23] =	ssyncset.done $0x0  }
0xa4: {  	s25 =	simm.s32 $0x1B8E;
	s24 =	sld [smem:$0x3FFE];
	[sflag:s23] =	ssyncadd.s32 $0xFFFFFFFF  }
0xa5: {  	s26 =	simm.s32 $execute0_lowered;
	[smem:$0x3FD2] =	sst s25  }
0xa6: {  	s5 =	sshll.u32 s26, $0x1;
	_ =	strace $0x8000004F;
	[dreg:$0x1] =	wrdreg $0xFFFFFFFF  }
0xa7: {  	s28 =	simm.s32 $_size_execute0_lowered;
	s3 =	sadd.s32 s3, s5;
	[dreg:$0x0] =	wrdreg $0x0  }
0xa8: {  	s5 =	sshll.u32 s28, $0x1;
	[dreg:$0x2] =	wrdreg s3  }
0xa9: {  	[dreg:$0x3] =	wrdreg s5  }
0xaa: {  	[dreg:$0x4] =	wrdreg $0xC0  }
0xab: {  	_ =	task [dreg:s7], $0x5FFFF  }
0xac: {  	[dreg:$0x1] =	wrdreg $0xFFFFFFFF  }
0xad: {  	[dreg:$0x0] =	wrdreg $0x60  }
0xae: {  	[dreg:$0x2] =	wrdreg s2  }
0xaf: {  	[dreg:$0x3] =	wrdreg s24  }
0xb0: {  	[dreg:$0x4] =	wrdreg $0x9  }
0xb1: {  	_ =	task.clear_ibuf [dreg:s7], $0x5FFFF;
	_ =	strace $0x9000004F  }
0xb2: {  	s29 =	simm.s32 $0x9;
	_ =	strace $0x80000051  }
0xb3: {  	_ =	swait.ge [sflag:s29], $0x1  }
0xb4: {  	[sflag:s29] =	ssyncadd.s32 $0xFFFFFFFF  }
0xb5: {  	_ =	strace $0x90000051  }
0xb6: {  	_ =	sfence  }
0xb7: {  	s30 =	sld [smem:$0x0];
	_ =	sdelay $0x2  }
0xb8: {  	s31 =	sshll.u32 s1, $0xD;
	s1 =	sshrl.u32 s1, $0x2  }
0xb9: {  	s3 =	sand.u32 $0x4000, s31;
	s1 =	sadd.s32 s1, s30  }
0xba: {  	s0 =	sor.u32 s3, s0;
	s1 =	sshll.u32 s1, $0x11  }
0xbb: {  	s0 =	sor.u32 s1, s0  }
0xbc: {  	s0 =	sadd.s32 $0x8F2B, s0  }
0xbd: {  	[sflag:s0] =	ssyncadd.remote.s32 $0x1  }
0xbe: {  	_ =	sfence.sel $0xFFFF  }
0xbf: {  	[dreg:$0x0] =	wrdreg $0xFFFFFFFF;
	(pc) =	sbr.abs _section_cstart, $3  }
0xc0: {  	[dreg:$0x1] =	wrdreg $0xFFFFFFFF  }
0xc1: {  	_ =	task.clear_ibuf [dreg:s7], $0x2FFFF;
	_ =	strace $0x9FFFFFFF  }
0xc2: {  	(tm) =	ssettm $0x7FFFFFFF  }
0xc3: {  	_ =	shalt  }
tec
execute0_lowered:
.L_overlay_start_1:
0x0: {  	(tag) =	ssettag $0x1  }
0x1: {  	s1 =	srdreg.scid  }
0x2: {  	s0 =	stileid.u32;
	s14 =	sand.u32 $0x1, s1  }
0x3: {  	s2 =	rddreg [dreg:$0x0];
	s29 =	sshll.u32 s0, $0xA;
	s3 =	sshll.u32 s14, $0x9  }
0x4: {  	s15 =	rddreg [dreg:$0x1];
	s16 =	sor.u32 s3, s29  }
0x5: {  	s1 =	rddreg [dreg:$0x2];
	s3 =	simm.s32 $0x0;
	s4 =	sshrl.u32 s16, $0x3  }
0x6: {  	[smem:$0x7FF] =	sst s3;
	s4 =	sadd.s32 s4, s15  }
0x7: {  	_ =	strace $0x80000050;
	s5 =	sadd.s32 $0x8E00, s4;
	s4 =	simm.s32 $0x2  }
0x8: {  	[tilespmem:s3], [sflag:$0x2] =	stream.linear.gather [hbm4b:s5+s3], $0x200, $0x38;
	[tilespmem:$0x10200] =	vst v63  }
0x9: {  	_ =	swait.ge [sflag:s4], $0x200  }
0xa: {  	[sflag:s4] =	ssyncset.done $0x0  }
0xb: {  	s6 =	simm.s32 $0x80;
	s7 =	simm.s32 $0x200;
	[sflag:s4] =	ssyncadd.s32 $0xFFFFFE00  }
0xc: {  	[tilespmem:s7], [sflag:$0x1] =	stream.indirect.gather [hbm4b:s2+s6], $0x80, s3, s6, $0xb8;
	[tilespmem:$0x10200] =	vst v63  }
0xd: {  	s8 =	simm.s32 $0x4200  }
0xe: {  	[tilespmem:s8], [sflag:$0x1] =	stream.indirect.gather [hbm4b:s2+s6], $0x80, s6, s6, $0xb8;
	[tilespmem:$0x10200] =	vst v63  }
0xf: {  	s9 =	simm.s32 $0x100;
	s10 =	simm.s32 $0x8200  }
0x10: {  	[tilespmem:s10], [sflag:$0x1] =	stream.indirect.gather [hbm4b:s2+s6], $0x80, s9, s6, $0xb8;
	[tilespmem:$0x10200] =	vst v63  }
0x11: {  	s11 =	simm.s32 $0x180;
	s12 =	simm.s32 $0xC200;
	s13 =	simm.s32 $0x1  }
0x12: {  	[tilespmem:s12], [sflag:$0x1] =	stream.indirect.gather [hbm4b:s2+s6], $0x80, s11, s6, $0xb8;
	[tilespmem:$0x10200] =	vst v63  }
0x13: {  	_ =	swait.ge [sflag:s13], $0x4000  }
0x14: {  	[sflag:s13] =	ssyncset.done $0x0  }
0x15: {  	[sflag:s13] =	ssyncadd.s32 $0xFFFFC000  }
0x16: {  	_ =	swait.ge [sflag:s13], $0x4000  }
0x17: {  	[sflag:s13] =	ssyncset.done $0x0  }
0x18: {  	s14 =	ssub.s32 $0x2, s14;
	[sflag:s13] =	ssyncadd.s32 $0xFFFFC000  }
0x19: {  	s17 =	sshrl.u32 s14, $0x1;
	_ =	swait.ge [sflag:s13], $0x4000  }
0x1a: {  	s30 =	ssub.s32 s14, s17;
	[sflag:s13] =	ssyncset.done $0x0  }
0x1b: {  	s31 =	smax.u32 s30, $0x1;
	[sflag:s13] =	ssyncadd.s32 $0xFFFFC000  }
0x1c: {  	s16 =	sshll.u32 s16, $0x4;
	p0 =	sne.s32 s31, $0x1;
	_ =	swait.ge [sflag:s13], $0x4000  }
.Ltmp0:
0x1d: {  	s15 =	sadd.s32 s16, s15;
	[sflag:s13] =	ssyncset.done $0x0;
	(pc) =	sbr.rel @!p0 .LBB2_2-.Ltmp0, $4  }
0x1e: {  	s14 =	sadd.s32 $0x9600, s15;
	[sflag:s13] =	ssyncadd.s32 $0xFFFFC000  }
0x1f: {  	[hbm4b:s14+s3] =	stream.linear.scatter [tilespmem:s7], [sflag:$0x2], $0x10000, $0x38;
	[tilespmem:$0x10200] =	vst v63  }
0x20: {  	_ =	swait.ge [sflag:s4], $0x10000  }
0x21: {  	s15 =	sadd.s32 $0xFFFFFFFF, s31;
	[sflag:s4] =	ssyncset.done $0x0  }
.LBB2_1:
0x22: {  	p0 =	sne.s32 s15, $0x1;
	s15 =	sadd.s32 $0xFFFFFFFF, s15;
	[sflag:s4] =	ssyncadd.s32 $0xFFFF0000  }
0x23: {  	[tilespmem:s3], [sflag:$0x2] =	stream.linear.gather [hbm4b:s5+s3], $0x200, $0x38;
	[tilespmem:$0x10200] =	vst v63  }
0x24: {  	_ =	swait.ge [sflag:s4], $0x200  }
0x25: {  	[sflag:s4] =	ssyncset.done $0x0  }
0x26: {  	[sflag:s4] =	ssyncadd.s32 $0xFFFFFE00  }
0x27: {  	[tilespmem:s7], [sflag:$0x1] =	stream.indirect.gather [hbm4b:s2+s6], $0x80, s3, s6, $0xb8;
	[tilespmem:$0x10200] =	vst v63  }
0x28: {  	_ = 	snop  }
0x29: {  	[tilespmem:s8], [sflag:$0x1] =	stream.indirect.gather [hbm4b:s2+s6], $0x80, s6, s6, $0xb8;
	[tilespmem:$0x10200] =	vst v63  }
0x2a: {  	_ = 	snop  }
0x2b: {  	[tilespmem:s10], [sflag:$0x1] =	stream.indirect.gather [hbm4b:s2+s6], $0x80, s9, s6, $0xb8;
	[tilespmem:$0x10200] =	vst v63  }
0x2c: {  	_ = 	snop  }
0x2d: {  	[tilespmem:s12], [sflag:$0x1] =	stream.indirect.gather [hbm4b:s2+s6], $0x80, s11, s6, $0xb8;
	[tilespmem:$0x10200] =	vst v63  }
0x2e: {  	_ =	swait.ge [sflag:s13], $0x4000  }
0x2f: {  	[sflag:s13] =	ssyncset.done $0x0  }
0x30: {  	[sflag:s13] =	ssyncadd.s32 $0xFFFFC000  }
0x31: {  	_ =	swait.ge [sflag:s13], $0x4000  }
0x32: {  	[sflag:s13] =	ssyncset.done $0x0  }
0x33: {  	[sflag:s13] =	ssyncadd.s32 $0xFFFFC000  }
0x34: {  	_ =	swait.ge [sflag:s13], $0x4000  }
0x35: {  	[sflag:s13] =	ssyncset.done $0x0  }
0x36: {  	[sflag:s13] =	ssyncadd.s32 $0xFFFFC000  }
0x37: {  	_ =	swait.ge [sflag:s13], $0x4000  }
.Ltmp1:
0x38: {  	[sflag:s13] =	ssyncset.done $0x0;
	(pc) =	sbr.rel @p0 .LBB2_1-.Ltmp1, $4  }
0x39: {  	[sflag:s13] =	ssyncadd.s32 $0xFFFFC000  }
0x3a: {  	[hbm4b:s14+s3] =	stream.linear.scatter [tilespmem:s7], [sflag:$0x2], $0x10000, $0x38;
	[tilespmem:$0x10200] =	vst v63  }
0x3b: {  	_ =	swait.ge [sflag:s4], $0x10000  }
0x3c: {  	[sflag:s4] =	ssyncset.done $0x0  }
.LBB2_2:
0x3d: {  	[sflag:s4] =	ssyncadd.s32 $0xFFFF0000  }
0x3e: {  	_ =	sfence.sel $0x180000  }
0x3f: {  	[bflag:$0x0] =	sbarrier.arrive $0xFFFF  }
0x40: {  	p0 =	sne.s32 s0, $0x0;
	_ =	strace $0x90000050  }
0x41: {  	s0 =	sadd.s32 @!p0 $0x100000, s1;
	[bflag:$0x2] =	sbarrier.arrive $0xFFFF  }
0x42: {  	[sflag:s0] =	ssyncadd.tile.s32 @!p0 $0x1;
	_ =	shalt  }
.Lfunc_end2:
_tile_overlayer_lowered:
.L_overlay_start_2:
0x43: {  	(tag) =	ssettag $0x2  }
0x44: {  	s0 =	rddreg [dreg:$0x0];
	s2 =	stileid.u32  }
0x45: {  	s1 =	rddreg [dreg:$0x1];
	p0 =	sne.s32 s2, $0x0  }
0x46: {  	s3 =	rddreg [dreg:$0x2];
	[bflag:$0x3] =	sbarrier.arrive $0xFFFF;
	s2 =	simm.s32 @!p0 $0x1C02  }
0x47: {  	[timem:s3], [sflag:s2] =	dma.local @!p0 [hbm:s0], s1  }
0x48: {  	s0 =	simm.s32 @!p0 $0x2  }
0x49: {  	_ =	swait.ge @!p0 [sflag:s0], s1  }
0x4a: {  	s1 =	ssub.s32 @!p0 $0x0, s1;
	[sflag:s0] =	ssyncset.done @!p0 $0x0  }
0x4b: {  	[sflag:s0] =	ssyncadd.s32 @!p0 s1  }
0x4c: {  	[bflag:$0x3] =	sbarrier.arrive $0xFFFF  }
0x4d: {  	_ =	shalt  }

// kernel: sparse-core-data-format-call.1.cloned.1.call-start
scs
called_computation.1_lowered:
.L_overlay_start_0:
0x0: {  	s1 =	sld [smem:$0x3FD9]  }
0x1: {  	s2 =	sld [smem:$0x3FFE];
	_ =	sdelay $0x1  }
0x2: {  	s3 =	srdreg.scid  }
0x3: {  	s0 =	sand.u32 $0x1, s3  }
0x4: {  	s17 =	sshll.u32 s0, $0xA;
	s1 =	sadd.s32 s2, s1  }
0x5: {  	s1 =	sadd.s32 s1, s17  }
0x6: {  	[smem:$0x3FB6] =	sst s1  }
0x7: {  	_ = 	snop  }
0x8: {  	(tm) =	ssettm $0x1  }
0x9: {  	s18 =	sld [smem:$0x3FFB];
	_ =	sdelay $0x3  }
0xa: {  	_ =	strace s18  }
0xb: {  	s1 =	sld [smem:$0x3FFC];
	_ =	sdelay $0x3  }
0xc: {  	_ =	strace s1  }
0xd: {  	s1 =	sld [smem:$0x3FFD];
	_ =	sdelay $0x3  }
0xe: {  	_ =	strace s1  }
0xf: {  	_ =	strace $0x8FFFFFFF  }
0x10: {  	s19 =	sld [smem:$0x3FDB];
	_ =	sdelay $0x1  }
0x11: {  	s20 =	simm.s32 $_scs_section_size  }
0x12: {  	s4 =	simm.s32 $_size__tile_overlayer_lowered;
	s5 =	simm.s32 $_tile_overlayer_lowered  }
0x13: {  	s23 =	simm.s32 $0x1BFF;
	s22 =	sshll.u32 s5, $0x1;
	s1 =	sadd.s32 s20, s19  }
0x14: {  	s6 =	simm.s32 $0x0;
	s21 =	sshll.u32 s4, $0x1;
	s4 =	sadd.s32 s22, s1  }
0x15: {  	[timem:s6], [sflag:s23] =	dma.local [hbm:s4], s21  }
0x16: {  	_ =	swait.ge [sflag:s23], s21  }
0x17: {  	s2 =	ssub.s32 $0x0, s21;
	[sflag:s23] =	ssyncset.done $0x0  }
0x18: {  	[sflag:s23] =	ssyncadd.s32 s2;
	_ =	sdelay $0x1  }
0x19: {  	s24 =	simm.s32 $0x1B8B  }
0x1a: {  	_ =	swait.ge [sflag:s24], $0x1  }
0x1b: {  	[sflag:s24] =	ssyncset.done $0x0  }
0x1c: {  	s26 =	simm.s32 $0x1B8E;
	s25 =	sld [smem:$0x3FFE];
	[sflag:s24] =	ssyncadd.s32 $0xFFFFFFFF  }
0x1d: {  	s27 =	simm.s32 $execute0_lowered;
	[smem:$0x3FD2] =	sst s26  }
0x1e: {  	s4 =	sshll.u32 s27, $0x1;
	_ =	strace $0x80000052;
	[dreg:$0x1] =	wrdreg $0xFFFFFFFF  }
0x1f: {  	s28 =	simm.s32 $_size_execute0_lowered;
	s1 =	sadd.s32 s1, s4;
	[dreg:$0x0] =	wrdreg $0x0  }
0x20: {  	s4 =	sshll.u32 s28, $0x1;
	[dreg:$0x2] =	wrdreg s1  }
0x21: {  	[dreg:$0x3] =	wrdreg s4  }
0x22: {  	[dreg:$0x4] =	wrdreg $0xC0  }
0x23: {  	_ =	task [dreg:s6], $0x5FFFF  }
0x24: {  	[dreg:$0x1] =	wrdreg $0xFFFFFFFF  }
0x25: {  	[dreg:$0x0] =	wrdreg $0x60  }
0x26: {  	[dreg:$0x2] =	wrdreg s25  }
0x27: {  	[dreg:$0x3] =	wrdreg $0x9  }
0x28: {  	_ =	task.clear_ibuf [dreg:s6], $0x4FFFF;
	_ =	strace $0x90000052  }
0x29: {  	s29 =	simm.s32 $0x9;
	_ =	strace $0x80000054  }
0x2a: {  	_ =	swait.ge [sflag:s29], $0x1  }
0x2b: {  	[sflag:s29] =	ssyncadd.s32 $0xFFFFFFFF  }
0x2c: {  	_ =	strace $0x90000054  }
0x2d: {  	_ =	sfence  }
0x2e: {  	s30 =	sld [smem:$0x0];
	_ =	sdelay $0x2  }
0x2f: {  	s31 =	sshll.u32 s3, $0xD;
	s3 =	sshrl.u32 s3, $0x2  }
0x30: {  	s2 =	sand.u32 $0x4000, s31;
	s1 =	sadd.s32 s3, s30  }
0x31: {  	s0 =	sor.u32 s2, s0;
	s1 =	sshll.u32 s1, $0x11  }
0x32: {  	s0 =	sor.u32 s1, s0  }
0x33: {  	s0 =	sadd.s32 $0x8F2B, s0  }
0x34: {  	[sflag:s0] =	ssyncadd.remote.s32 $0x1  }
0x35: {  	_ =	sfence.sel $0xFFFF  }
0x36: {  	[dreg:$0x0] =	wrdreg $0xFFFFFFFF;
	(pc) =	sbr.abs _section_cstart, $3  }
0x37: {  	[dreg:$0x1] =	wrdreg $0xFFFFFFFF  }
0x38: {  	_ =	task.clear_ibuf [dreg:s6], $0x2FFFF;
	_ =	strace $0x9FFFFFFF  }
0x39: {  	(tm) =	ssettm $0x7FFFFFFF  }
tec
execute0_lowered:
.L_overlay_start_1:
0x0: {  	(tag) =	ssettag $0x1  }
0x1: {  	s1 =	rddreg [dreg:$0x0]  }
0x2: {  	s0 =	rddreg [dreg:$0x1];
	s3 =	srdreg.scid  }
0x3: {  	_ =	strace $0x80000053;
	s5 =	simm.s32 $0x1;
	s7 =	simm.s32 $0x2  }
0x4: {  	s13 =	simm.s32 $0x0;
	p0 =	por $0x0, $0x0;
	s8 =	simm.s32 $0x80  }
0x5: {  	s14 =	simm.s32 $0x0;
	s15 =	simm.s32 $0x0;
	s10 =	simm.s32 $0x0  }
.Ltmp0:
0x6: {  	s2 =	sadd.s32 $0x3A8400, s1;
	s4 =	sshll.u32 s3, $0x4;
	(pc) =	sbr.rel .LBB1_1-.Ltmp0, $4  }
0x7: {  	s3 =	sadd.s32 $0x5A8400, s1;
	s1 =	stileid.u32;
	s4 =	sand.u32 $0x10, s4  }
0x8: {  	s9 =	simm.s32 $0x0;
	[sflag:s5] =	ssyncpa.u1 $0x0;
	s6 =	sor.u32 s1, s4  }
0x9: {  	[sflag:s7] =	ssyncpa.u1 $0x0;
	s4 =	sand.u32 $0x3, s1;
	s6 =	sshrl.u32 s6, $0x2  }
0xa: {  	s7 =	simm.s32 $0x40;
	s12 =	smov.u32 s4;
	s11 =	smov.u32 s6  }
.LBB1_7:
0xb: {  	s16 =	sadd.s32 $0x1, s10  }
0xc: {  	s13 =	sadd.s32 $0x8, s11;
	s17 =	smov.u32 s11;
	p2 =	sgt.s32 s16, $0x1  }
0xd: {  	s17 =	smov.u32 @p2 s13  }
0xe: {  	s19 =	smov.u32 s12;
	s13 =	sadd.s32 $0x4, s12;
	p3 =	sgt.s32 s17, $0x7F  }
0xf: {  	p1 =	slt.u32 s9, $0x2;
	s19 =	smov.u32 @p3 s13  }
0x10: {  	s9 =	sadd.s32 $0x1, s9;
	s16 =	simm.s32 @p2 $0x0;
	p2 =	sgt.s32 s19, $0x3  }
0x11: {  	s19 =	smov.u32 @p2 s4;
	p2 =	sne.s32 s9, $0x22  }
.Ltmp1:
0x12: {  	s18 =	simm.s32 @!p1 $0x2;
	(pc) =	sbr.rel @!p2 .LBB1_8-.Ltmp1, $4  }
0x13: {  	s14 =	smov.u32 s11;
	_ =	swait.ge @!p1 [sflag:s18], $0x4000  }
0x14: {  	s15 =	smov.u32 s12;
	p0 =	por !p0, !p0;
	[sflag:s18] =	ssyncset.done @!p1 $0x0  }
0x15: {  	s17 =	smov.u32 @p3 s6;
	s13 =	smov.u32 s10;
	[sflag:s18] =	ssyncadd.s32 @!p1 $0xFFFFC000  }
0x16: {  	s10 =	smov.u32 s16;
	s11 =	smov.u32 s17;
	s12 =	smov.u32 s19  }
.LBB1_1:
0x17: {  	p1 =	sgt.u32 s9, $0x1F  }
0x18: {  	s16 =	sshll.u32 @!p1 s12, $0x13  }
0x19: {  	s17 =	sxor.u32 @!p1 $0xFFFFFFFF, s9;
	s18 =	sshll.u32 @!p1 s11, $0xC;
	s16 =	sadd.s32 @!p1 s2, s16  }
0x1a: {  	s19 =	sshll.u32 @!p1 s10, $0xB;
	s17 =	sshll.u32 @!p1 s17, $0xE;
	s16 =	sadd.s32 @!p1 s18, s16  }
0x1b: {  	s17 =	sand.u32 @!p1 $0x4000, s17;
	s18 =	simm.s32 @!p1 $0x0;
	s16 =	sadd.s32 @!p1 s19, s16  }
0x1c: {  	[tilespmem:s17], [sflag:$0x1] =	stream.linear.gather @!p1 [hbm4b:s16+s18], $0x4000, $0x38;
	[tilespmem:$0x10200] =	vst v63  }
0x1d: {  	p1 =	seq.s32 s9, $0x0  }
0x1e: {  	p2 =	seq.s32 @!p1 s9, $0x21  }
0x1f: {  	p1 =	por p1, p2  }
.Ltmp2:
0x20: {  	_ = 	snop;
	(pc) =	sbr.rel @p1 .LBB1_7-.Ltmp2, $1  }
0x21: {  	_ =	sdelay $0x3  }
0x22: {  	s16 =	simm.s32 $0x1;
	s18 =	sand.u32 $0x1, s9  }
0x23: {  	_ =	swait.ge [sflag:s5], $0x4000;
	s16 =	simm.s32 @!p0 $0x0;
	s18 =	smul.u32 $0x10400, s18  }
0x24: {  	p2 =	por $0x1, $0x1;
	[sflag:s5] =	ssyncset.done $0x0;
	s17 =	smul.u32 $0x10400, s16  }
0x25: {  	s19 =	sshll.u32 s16, $0x10;
	[sflag:s5] =	ssyncadd.s32 $0xFFFFC000;
	s30 =	sshrl.u32 s18, $0x2  }
0x26: {  	s31 =	sshrl.u32 s19, $0x2;
	s19 =	simm.s32 $0x0;
	s17 =	sshrl.u32 s17, $0x2  }
0x27: {  	s16 =	sor.u32 $0x8000, s30;
	s18 =	sadd.s32 $0x40, s31;
	s17 =	sor.u32 $0x8000, s17  }
.LBB1_3:
0x28: {  	s20 =	sshll.u32 s19, $0xD  }
0x29: {  	s20 =	sand.u32 $0x3FFFE000, s20  }
0x2a: {  	s21 =	sadd.s32 s20, s18  }
0x2b: {  	s31 =	sand.u32 $0x1, s19;
	v0 =	vld [tilespmem:s21+$0x30]  }
0x2c: {  	s19 =	simm.s32 $0x41;
	p1 =	seq.s32 s31, $0x1;
	v1 =	vld [tilespmem:s21+$0xFFFFFFD0]  }
0x2d: {  	s19 =	simm.s32 @!p1 $0x0;
	v5 =	vld [tilespmem:s21+$0xFFFFFFE0]  }
0x2e: {  	s19 =	sadd.s32 s19, s17;
	v6 =	vld [tilespmem:s21+$0xFFFFFFF0]  }
0x2f: {  	v2 =	vld [tilespmem:s21+$0x0];
	s20 =	sadd.s32 $0x0, s19  }
0x30: {  	v3 =	vld [tilespmem:s21+$0x10];
	[tilespmem:s20+$0x38E0 ss:$0x82] =	vst.msk $0xffff, v0  }
0x31: {  	v4 =	vld [tilespmem:s21+$0x20];
	[tilespmem:s20+$0x820 ss:$0x82] =	vst.msk $0xffff, v1  }
0x32: {  	v0 =	vld [tilespmem:s21+$0xFFFFFFC0];
	[tilespmem:s20+$0x1040 ss:$0x82] =	vst.msk $0xffff, v5;
	s21 =	sadd.s32 $0x80, s21  }
0x33: {  	s22 =	simm.s32 $0x4;
	s23 =	simm.s32 $0x8;
	p1 =	por p2, p2;
	[tilespmem:s20+$0x1860 ss:$0x82] =	vst.msk $0xffff, v6;
	v1 =	vld [tilespmem:s21+$0x30]  }
.LBB1_4:
0x34: {  	p2 =	sne.s32 s23, $0xFC;
	v5 =	vld [tilespmem:s21+$0xFFFFFFD0];
	[tilespmem:s20+$0x2080 ss:$0x82] =	vst.msk $0xffff, v2  }
0x35: {  	v6 =	vld [tilespmem:s21+$0xFFFFFFE0];
	[tilespmem:s20+$0x28A0 ss:$0x82] =	vst.msk $0xffff, v3  }
0x36: {  	s24 =	sshra.s32 s22, $0x2;
	s22 =	smov.u32 s23;
	v7 =	vld [tilespmem:s21+$0xFFFFFFF0];
	[tilespmem:s20+$0x30C0 ss:$0x82] =	vst.msk $0xffff, v4  }
.Ltmp3:
0x37: {  	v2 =	vld [tilespmem:s21+$0x0];
	[tilespmem:s20+$0x0 ss:$0x82] =	vst.msk $0xffff, v0;
	s20 =	sadd.s32 s24, s19;
	(pc) =	sbr.rel @p2 .LBB1_4-.Ltmp3, $4  }
0x38: {  	v3 =	vld [tilespmem:s21+$0x10];
	[tilespmem:s20+$0x38E0 ss:$0x82] =	vst.msk $0xffff, v1  }
0x39: {  	[tilespmem:s20+$0x820 ss:$0x82] =	vst.msk $0xffff, v5;
	v4 =	vld [tilespmem:s21+$0x20]  }
0x3a: {  	v0 =	vld [tilespmem:s21+$0xFFFFFFC0];
	[tilespmem:s20+$0x1040 ss:$0x82] =	vst.msk $0xffff, v6;
	s21 =	sadd.s32 $0x80, s21  }
0x3b: {  	s23 =	sadd.s32 $0x4, s23;
	v1 =	vld [tilespmem:s21+$0x30];
	[tilespmem:s20+$0x1860 ss:$0x82] =	vst.msk $0xffff, v7  }
0x3c: {  	v5 =	vld [tilespmem:s21+$0xFFFFFFD0];
	[tilespmem:s20+$0x2080 ss:$0x82] =	vst.msk $0xffff, v2  }
0x3d: {  	v58 =	vld [tilespmem:s21+$0xFFFFFFE0];
	[tilespmem:s20+$0x28A0 ss:$0x82] =	vst.msk $0xffff, v3  }
0x3e: {  	s22 =	sshra.s32 s22, $0x2;
	v59 =	vld [tilespmem:s21+$0xFFFFFFF0];
	[tilespmem:s20+$0x30C0 ss:$0x82] =	vst.msk $0xffff, v4  }
0x3f: {  	v60 =	vld [tilespmem:s21+$0x0];
	s19 =	sadd.s32 s22, s19;
	[tilespmem:s20+$0x0 ss:$0x82] =	vst.msk $0xffff, v0  }
0x40: {  	v61 =	vld [tilespmem:s21+$0x10];
	[tilespmem:s19+$0x38E0 ss:$0x82] =	vst.msk $0xffff, v1  }
0x41: {  	v62 =	vld [tilespmem:s21+$0x20];
	[tilespmem:s19+$0x820 ss:$0x82] =	vst.msk $0xffff, v5  }
0x42: {  	v63 =	vld [tilespmem:s21+$0xFFFFFFC0];
	[tilespmem:s19+$0x1040 ss:$0x82] =	vst.msk $0xffff, v58  }
.Ltmp4:
0x43: {  	[tilespmem:s19+$0x1860 ss:$0x82] =	vst.msk $0xffff, v59;
	(pc) =	sbr.rel @p1 .LBB1_3-.Ltmp4, $4  }
0x44: {  	[tilespmem:s19+$0x2080 ss:$0x82] =	vst.msk $0xffff, v60  }
0x45: {  	[tilespmem:s19+$0x28A0 ss:$0x82] =	vst.msk $0xffff, v61  }
0x46: {  	[tilespmem:s19+$0x30C0 ss:$0x82] =	vst.msk $0xffff, v62  }
0x47: {  	p2 =	por $0x0, $0x0;
	[tilespmem:s19+$0x0 ss:$0x82] =	vst.msk $0xffff, v63;
	s19 =	simm.s32 $0x1  }
.Ltmp5:
0x48: {  	s15 =	sshll.u32 s15, $0x14;
	(pc) =	sbr.rel .LBB1_7-.Ltmp5, $4  }
0x49: {  	s14 =	sshll.u32 s14, $0xD;
	s15 =	sadd.s32 s3, s15  }
0x4a: {  	s13 =	sshll.u32 s13, $0xC;
	s14 =	sadd.s32 s14, s15  }
0x4b: {  	s13 =	sadd.s32 s13, s14  }
0x4c: {  	[hbm4b:s13+s7] =	stream.strided.scatter [tilespmem:s16], [sflag:$0x2], $0x4000, s8, s7, $0x18;
	[tilespmem:$0x10200] =	vst v63  }
.LBB1_8:
0x4d: {  	_ =	sfence.sel $0x180000  }
0x4e: {  	s2 =	simm.s32 $0x1;
	[bflag:$0x0] =	sbarrier.arrive $0xFFFF  }
0x4f: {  	s31 =	simm.s32 $0x2;
	[sflag:s2] =	ssyncpa.u1 $0x1  }
0x50: {  	[sflag:s31] =	ssyncpa.u1 $0x1  }
0x51: {  	p0 =	sne.s32 s1, $0x0;
	_ =	strace $0x90000053  }
0x52: {  	s0 =	sadd.s32 @!p0 $0x100000, s0;
	[bflag:$0x2] =	sbarrier.arrive $0xFFFF  }
0x53: {  	[sflag:s0] =	ssyncadd.tile.s32 @!p0 $0x1;
	_ =	shalt  }
.Lfunc_end1:
_tile_overlayer_lowered:
.L_overlay_start_2:
0x54: {  	(tag) =	ssettag $0x2  }
0x55: {  	s0 =	rddreg [dreg:$0x0];
	s2 =	stileid.u32  }
0x56: {  	s1 =	rddreg [dreg:$0x1];
	p0 =	sne.s32 s2, $0x0  }
0x57: {  	s3 =	rddreg [dreg:$0x2];
	[bflag:$0x3] =	sbarrier.arrive $0xFFFF;
	s2 =	simm.s32 @!p0 $0x1C01  }
0x58: {  	[timem:s3], [sflag:s2] =	dma.local @!p0 [hbm:s0], s1  }
0x59: {  	s0 =	simm.s32 @!p0 $0x1  }
0x5a: {  	_ =	swait.ge @!p0 [sflag:s0], s1  }
0x5b: {  	s1 =	ssub.s32 @!p0 $0x0, s1;
	[sflag:s0] =	ssyncset.done @!p0 $0x0  }
0x5c: {  	[sflag:s0] =	ssyncadd.s32 @!p0 s1  }
0x5d: {  	[bflag:$0x3] =	sbarrier.arrive $0xFFFF  }
0x5e: {  	_ =	shalt  }

// kernel: sparse-core-data-format-call.2.cloned.1.call-start
scs
called_computation.2_lowered:
.L_overlay_start_0:
0x0: {  	s1 =	sld [smem:$0x3FD9]  }
0x1: {  	s2 =	sld [smem:$0x3FFE];
	_ =	sdelay $0x1  }
0x2: {  	s3 =	srdreg.scid  }
0x3: {  	s0 =	sand.u32 $0x1, s3  }
0x4: {  	s17 =	sshll.u32 s0, $0xA;
	s1 =	sadd.s32 s2, s1  }
0x5: {  	s1 =	sadd.s32 s1, s17  }
0x6: {  	[smem:$0x3FB6] =	sst s1  }
0x7: {  	_ = 	snop  }
0x8: {  	(tm) =	ssettm $0x1  }
0x9: {  	s18 =	sld [smem:$0x3FFB];
	_ =	sdelay $0x3  }
0xa: {  	_ =	strace s18  }
0xb: {  	s1 =	sld [smem:$0x3FFC];
	_ =	sdelay $0x3  }
0xc: {  	_ =	strace s1  }
0xd: {  	s1 =	sld [smem:$0x3FFD];
	_ =	sdelay $0x3  }
0xe: {  	_ =	strace s1  }
0xf: {  	_ =	strace $0x8FFFFFFF  }
0x10: {  	s19 =	sld [smem:$0x3FDB];
	_ =	sdelay $0x1  }
0x11: {  	s20 =	simm.s32 $_scs_section_size  }
0x12: {  	s4 =	simm.s32 $_size__tile_overlayer_lowered;
	s5 =	simm.s32 $_tile_overlayer_lowered  }
0x13: {  	s23 =	simm.s32 $0x1BFF;
	s22 =	sshll.u32 s5, $0x1;
	s1 =	sadd.s32 s20, s19  }
0x14: {  	s6 =	simm.s32 $0x0;
	s21 =	sshll.u32 s4, $0x1;
	s4 =	sadd.s32 s22, s1  }
0x15: {  	[timem:s6], [sflag:s23] =	dma.local [hbm:s4], s21  }
0x16: {  	_ =	swait.ge [sflag:s23], s21  }
0x17: {  	s2 =	ssub.s32 $0x0, s21;
	[sflag:s23] =	ssyncset.done $0x0  }
0x18: {  	[sflag:s23] =	ssyncadd.s32 s2;
	_ =	sdelay $0x1  }
0x19: {  	s24 =	simm.s32 $0x1B8B  }
0x1a: {  	_ =	swait.ge [sflag:s24], $0x1  }
0x1b: {  	[sflag:s24] =	ssyncset.done $0x0  }
0x1c: {  	s26 =	simm.s32 $0x1B8E;
	s25 =	sld [smem:$0x3FFE];
	[sflag:s24] =	ssyncadd.s32 $0xFFFFFFFF  }
0x1d: {  	s27 =	simm.s32 $execute0_lowered;
	[smem:$0x3FD2] =	sst s26  }
0x1e: {  	s4 =	sshll.u32 s27, $0x1;
	_ =	strace $0x8000004C;
	[dreg:$0x1] =	wrdreg $0xFFFFFFFF  }
0x1f: {  	s28 =	simm.s32 $_size_execute0_lowered;
	s1 =	sadd.s32 s1, s4;
	[dreg:$0x0] =	wrdreg $0x0  }
0x20: {  	s4 =	sshll.u32 s28, $0x1;
	[dreg:$0x2] =	wrdreg s1  }
0x21: {  	[dreg:$0x3] =	wrdreg s4  }
0x22: {  	[dreg:$0x4] =	wrdreg $0xC0  }
0x23: {  	_ =	task [dreg:s6], $0x5FFFF  }
0x24: {  	[dreg:$0x1] =	wrdreg $0xFFFFFFFF  }
0x25: {  	[dreg:$0x0] =	wrdreg $0x60  }
0x26: {  	[dreg:$0x2] =	wrdreg s25  }
0x27: {  	[dreg:$0x3] =	wrdreg $0x9  }
0x28: {  	_ =	task.clear_ibuf [dreg:s6], $0x4FFFF;
	_ =	strace $0x9000004C  }
0x29: {  	s29 =	simm.s32 $0x9;
	_ =	strace $0x8000004E  }
0x2a: {  	_ =	swait.ge [sflag:s29], $0x1  }
0x2b: {  	[sflag:s29] =	ssyncadd.s32 $0xFFFFFFFF  }
0x2c: {  	_ =	strace $0x9000004E  }
0x2d: {  	_ =	sfence  }
0x2e: {  	s30 =	sld [smem:$0x0];
	_ =	sdelay $0x2  }
0x2f: {  	s31 =	sshll.u32 s3, $0xD;
	s3 =	sshrl.u32 s3, $0x2  }
0x30: {  	s2 =	sand.u32 $0x4000, s31;
	s1 =	sadd.s32 s3, s30  }
0x31: {  	s0 =	sor.u32 s2, s0;
	s1 =	sshll.u32 s1, $0x11  }
0x32: {  	s0 =	sor.u32 s1, s0  }
0x33: {  	s0 =	sadd.s32 $0x8F2B, s0  }
0x34: {  	[sflag:s0] =	ssyncadd.remote.s32 $0x1  }
0x35: {  	_ =	sfence.sel $0xFFFF  }
0x36: {  	[dreg:$0x0] =	wrdreg $0xFFFFFFFF;
	(pc) =	sbr.abs _section_cstart, $3  }
0x37: {  	[dreg:$0x1] =	wrdreg $0xFFFFFFFF  }
0x38: {  	_ =	task.clear_ibuf [dreg:s6], $0x2FFFF;
	_ =	strace $0x9FFFFFFF  }
0x39: {  	(tm) =	ssettm $0x7FFFFFFF  }
tec
execute0_lowered:
.L_overlay_start_1:
0x0: {  	(tag) =	ssettag $0x1  }
0x1: {  	s0 =	stileid.u32  }
0x2: {  	s3 =	rddreg [dreg:$0x0];
	s4 =	srdreg.scid  }
0x3: {  	s7 =	simm.s32 $0x1;
	s11 =	simm.s32 $0x2;
	s16 =	simm.s32 $0x0  }
0x4: {  	s17 =	simm.s32 $0x0;
	s19 =	simm.s32 $0x0;
	s18 =	simm.s32 $0x0  }
0x5: {  	s15 =	simm.s32 $0x0;
	s1 =	sshrl.u32 s0, $0x1;
	s4 =	sshll.u32 s4, $0x4  }
0x6: {  	s6 =	sshll.u32 s0, $0x5;
	s2 =	sand.u32 $0x1, s1;
	s1 =	rddreg [dreg:$0x1]  }
0x7: {  	_ =	strace $0x8000004D;
	s4 =	sand.u32 $0x10, s4;
	s6 =	sand.u32 $0x80, s6  }
0x8: {  	s5 =	smul.u32 $0x4080, s2;
	s28 =	sor.u32 s0, s4;
	s4 =	sand.u32 $0x1, s0  }
0x9: {  	s8 =	ssub.s32 $0x2, s2;
	[sflag:s7] =	ssyncpa.u1 $0x0;
	s29 =	smax.u32 s6, $0x1  }
0xa: {  	s30 =	sshll.u32 s6, $0x7;
	s10 =	sshrl.u32 s8, $0x1;
	s8 =	sand.u32 $0x1, s8  }
0xb: {  	s12 =	sxor.u32 $0x41, s4;
	[sflag:s11] =	ssyncpa.u1 $0x0;
	s14 =	smov.u32 s4  }
.Ltmp0:
0xc: {  	s9 =	sadd.s32 s5, s3;
	s3 =	sadd.s32 $0x50AE00, s3;
	(pc) =	sbr.rel .LBB1_1-.Ltmp0, $4  }
0xd: {  	s5 =	sshrl.u32 s28, $0x3;
	s8 =	sadd.s32 s8, s10;
	s10 =	sshll.u32 s29, $0x6  }
0xe: {  	s8 =	smul.u32 s12, s8;
	s13 =	sshll.u32 s5, $0x4;
	s12 =	sadd.s32 s30, s9  }
0xf: {  	s9 =	sxor.u32 $0x2040, s10;
	s31 =	sadd.s32 s13, s12;
	s12 =	simm.s32 $0x400  }
0x10: {  	s13 =	simm.s32 $0x800;
	s10 =	sadd.s32 $0xCE00, s31;
	s11 =	sadd.s32 $0x1, s8  }
.LBB1_7:
0x11: {  	s20 =	sadd.s32 $0x2, s14  }
0x12: {  	p1 =	sgt.s32 s20, $0x80  }
0x13: {  	s20 =	smov.u32 @p1 s4;
	p1 =	sne.s32 s15, s11  }
.Ltmp1:
0x14: {  	p0 =	slt.u32 s15, $0x2;
	(pc) =	sbr.rel @!p1 .LBB1_8-.Ltmp1, $4  }
0x15: {  	s21 =	sadd.s32 $0x1, s15;
	s16 =	simm.s32 @!p0 $0x2  }
0x16: {  	s18 =	smov.u32 s14;
	s17 =	smov.u32 s6;
	_ =	swait.ge @!p0 [sflag:s16], $0x2000  }
0x17: {  	s19 =	smov.u32 s2;
	s15 =	smov.u32 s21;
	[sflag:s16] =	ssyncset.done @!p0 $0x0  }
0x18: {  	s14 =	smov.u32 s20;
	[sflag:s16] =	ssyncadd.s32 @!p0 $0xFFFFE000;
	s16 =	smov.u32 s5  }
.LBB1_1:
0x19: {  	p0 =	sge.u32 s15, s8  }
0x1a: {  	p1 =	sgt.s32 @!p0 s14, $0x80  }
0x1b: {  	s20 =	smov.u32 s14;
	s21 =	sshra.s32 @!p0 s14, $0x1F;
	p1 =	por !p1, p0  }
0x1c: {  	s21 =	sand.u32 @!p0 s21, s14;
	s20 =	simm.s32 @p1 $0x80  }
0x1d: {  	s20 =	ssub.s32 @!p0 s20, s21  }
0x1e: {  	s21 =	sadd.s32 @!p0 $0xFFFFFF80, s20  }
0x1f: {  	p1 =	sgt.s32 @!p0 s21, $0x0  }
0x20: {  	s20 =	ssub.s32 @!p0 $0x81, s20;
	p1 =	por !p1, p0  }
0x21: {  	s22 =	smul.u32 @!p0 $0x8100, s14;
	s20 =	simm.s32 @!p1 $0x0  }
0x22: {  	s31 =	sadd.s32 $0xFFFFFFFF, s15;
	s21 =	sxor.u32 @!p0 $0xFFFFFFFF, s15;
	s20 =	smul.u32 @!p0 s20, s9  }
0x23: {  	s23 =	simm.s32 @!p0 $0x20;
	s24 =	simm.s32 @!p0 $0x200;
	s21 =	sshll.u32 @!p0 s21, $0xD  }
0x24: {  	s22 =	sadd.s32 @!p0 s22, s10;
	s21 =	sand.u32 @!p0 $0x2000, s21;
	s20 =	sand.u32 @!p0 $0x3FFFFFC0, s20  }
0x25: {  	[tilespmem:s21], [sflag:$0x1] =	stream.strided.gather @!p0 [hbm4b:s22+s23], s20, s24, s23, $0x38;
	[tilespmem:$0x8080] =	vst v63  }
0x26: {  	p0 =	sge.u32 s31, s8  }
.Ltmp2:
0x27: {  	_ = 	snop;
	(pc) =	sbr.rel @p0 .LBB1_7-.Ltmp2, $1  }
0x28: {  	_ =	sdelay $0x3  }
0x29: {  	p0 =	sgt.s32 s18, $0x80;
	s20 =	smov.u32 s18;
	s21 =	sshra.s32 s18, $0x1F  }
0x2a: {  	s20 =	simm.s32 @!p0 $0x80;
	s21 =	sand.u32 s21, s18  }
0x2b: {  	p0 =	sgt.s32 s17, $0x1;
	s20 =	ssub.s32 s20, s21;
	s21 =	smov.u32 s17  }
0x2c: {  	s22 =	sadd.s32 $0xFFFFFF80, s20;
	s21 =	simm.s32 @!p0 $0x1  }
0x2d: {  	s20 =	ssub.s32 $0x81, s20;
	p0 =	sgt.s32 s22, $0x0;
	s21 =	sshll.u32 s21, $0x6  }
0x2e: {  	s20 =	simm.s32 @p0 $0x0;
	s21 =	ssub.s32 $0x2040, s21  }
0x2f: {  	s29 =	sand.u32 $0x1, s15;
	s20 =	smul.u32 s20, s21  }
0x30: {  	s30 =	smul.u32 $0x8100, s29  }
0x31: {  	s20 =	sand.u32 $0x3FFFFFC0, s20  }
0x32: {  	s31 =	sshrl.u32 s30, $0x2;
	_ =	swait.ge [sflag:s7], s20  }
0x33: {  	s22 =	simm.s32 $0x0;
	s20 =	ssub.s32 $0x0, s20;
	[sflag:s7] =	ssyncset.done $0x0  }
0x34: {  	s21 =	sshll.u32 s29, $0xD;
	[sflag:s7] =	ssyncadd.s32 s20;
	s20 =	sor.u32 $0x4000, s31  }
.LBB1_3:
0x35: {  	s23 =	sshll.u32 s22, $0x6  }
0x36: {  	s23 =	sand.u32 $0x3FFFFFC0, s23  }
0x37: {  	s23 =	sadd.s32 s23, s21  }
0x38: {  	v0 =	vmov s23;
	_ =	sdelay $0x1  }
0x39: {  	p0 =	por $0x1, $0x1;
	s23 =	simm.s32 $0x0  }
.LBB1_4:
0x3a: {  	s24 =	sshll.u32 s23, $0x5  }
0x3b: {  	s24 =	sand.u32 $0x3FFFFFE0, s24  }
0x3c: {  	s31 =	smul.u32 $0x4080, s23;
	v1 =	vld.idx.msk [tilespmem:v0+s24+$0x0 ss:$0x1], $0xffff  }
0x3d: {  	p1 =	por p0, p0;
	v2 =	vld.idx.msk [tilespmem:v0+s24+$0x10 ss:$0x1], $0xffff  }
.Ltmp3:
0x3e: {  	s23 =	sshra.s32 s31, $0x2;
	(pc) =	sbr.rel @p1 .LBB1_4-.Ltmp3, $4  }
0x3f: {  	s23 =	sadd.s32 s23, s20  }
0x40: {  	s23 =	sadd.s32 s22, s23  }
0x41: {  	[tilespmem:s23+$0x0 ss:$0x81] =	vst.msk $0xffff, v1  }
0x42: {  	p0 =	por $0x0, $0x0;
	[tilespmem:s23+$0x810 ss:$0x81] =	vst.msk $0xffff, v2;
	s23 =	simm.s32 $0x1  }
0x43: {  	s22 =	sadd.s32 $0x1, s22  }
0x44: {  	p0 =	sne.s32 s22, $0x80  }
.Ltmp4:
0x45: {  	_ = 	snop;
	(pc) =	sbr.rel @p0 .LBB1_3-.Ltmp4, $1  }
0x46: {  	_ =	sdelay $0x3  }
0x47: {  	s18 =	sshll.u32 s18, $0xC  }
.Ltmp5:
0x48: {  	s19 =	sshll.u32 s19, $0xB;
	s18 =	sadd.s32 s3, s18;
	(pc) =	sbr.rel .LBB1_7-.Ltmp5, $4  }
0x49: {  	s16 =	smul.u32 $0x81000, s16;
	s18 =	sadd.s32 s19, s18  }
0x4a: {  	s17 =	sadd.s32 s17, s18  }
0x4b: {  	s16 =	sadd.s32 s16, s17  }
0x4c: {  	[hbm4b:s16+s12] =	stream.strided.scatter [tilespmem:s20], [sflag:$0x2], $0x2000, s13, s12, $0x20;
	[tilespmem:$0x8080] =	vst v63  }
.LBB1_8:
0x4d: {  	_ =	sfence.sel $0x180000  }
0x4e: {  	s2 =	simm.s32 $0x1;
	[bflag:$0x0] =	sbarrier.arrive $0xFFFF  }
0x4f: {  	s31 =	simm.s32 $0x2;
	[sflag:s2] =	ssyncpa.u1 $0x1  }
0x50: {  	[sflag:s31] =	ssyncpa.u1 $0x1  }
0x51: {  	p0 =	sne.s32 s0, $0x0;
	_ =	strace $0x9000004D  }
0x52: {  	s0 =	sadd.s32 @!p0 $0x100000, s1;
	[bflag:$0x2] =	sbarrier.arrive $0xFFFF  }
0x53: {  	[sflag:s0] =	ssyncadd.tile.s32 @!p0 $0x1;
	_ =	shalt  }
.Lfunc_end1:
_tile_overlayer_lowered:
.L_overlay_start_2:
0x54: {  	(tag) =	ssettag $0x2  }
0x55: {  	s0 =	rddreg [dreg:$0x0];
	s2 =	stileid.u32  }
0x56: {  	s1 =	rddreg [dreg:$0x1];
	p0 =	sne.s32 s2, $0x0  }
0x57: {  	s3 =	rddreg [dreg:$0x2];
	[bflag:$0x3] =	sbarrier.arrive $0xFFFF;
	s2 =	simm.s32 @!p0 $0x1C01  }
0x58: {  	[timem:s3], [sflag:s2] =	dma.local @!p0 [hbm:s0], s1  }
0x59: {  	s0 =	simm.s32 @!p0 $0x1  }
0x5a: {  	_ =	swait.ge @!p0 [sflag:s0], s1  }
0x5b: {  	s1 =	ssub.s32 @!p0 $0x0, s1;
	[sflag:s0] =	ssyncset.done @!p0 $0x0  }
0x5c: {  	[sflag:s0] =	ssyncadd.s32 @!p0 s1  }
0x5d: {  	[bflag:$0x3] =	sbarrier.arrive $0xFFFF  }
0x5e: {  	_ =	shalt  }

// kernel: sparse-core-data-format-call.3.cloned.1.call-start
scs
called_computation.3_lowered:
.L_overlay_start_0:
0x0: {  	s1 =	sld [smem:$0x3FD9]  }
0x1: {  	s2 =	sld [smem:$0x3FFE];
	_ =	sdelay $0x1  }
0x2: {  	s3 =	srdreg.scid  }
0x3: {  	s0 =	sand.u32 $0x1, s3  }
0x4: {  	s17 =	sshll.u32 s0, $0xA;
	s1 =	sadd.s32 s2, s1  }
0x5: {  	s1 =	sadd.s32 s1, s17  }
0x6: {  	[smem:$0x3FB6] =	sst s1  }
0x7: {  	_ = 	snop  }
0x8: {  	(tm) =	ssettm $0x1  }
0x9: {  	s18 =	sld [smem:$0x3FFB];
	_ =	sdelay $0x3  }
0xa: {  	_ =	strace s18  }
0xb: {  	s1 =	sld [smem:$0x3FFC];
	_ =	sdelay $0x3  }
0xc: {  	_ =	strace s1  }
0xd: {  	s1 =	sld [smem:$0x3FFD];
	_ =	sdelay $0x3  }
0xe: {  	_ =	strace s1  }
0xf: {  	_ =	strace $0x8FFFFFFF  }
0x10: {  	s19 =	sld [smem:$0x3FDB];
	_ =	sdelay $0x1  }
0x11: {  	s20 =	simm.s32 $_scs_section_size  }
0x12: {  	s4 =	simm.s32 $_size__tile_overlayer_lowered;
	s5 =	simm.s32 $_tile_overlayer_lowered  }
0x13: {  	s23 =	simm.s32 $0x1BFF;
	s22 =	sshll.u32 s5, $0x1;
	s1 =	sadd.s32 s20, s19  }
0x14: {  	s6 =	simm.s32 $0x0;
	s21 =	sshll.u32 s4, $0x1;
	s4 =	sadd.s32 s22, s1  }
0x15: {  	[timem:s6], [sflag:s23] =	dma.local [hbm:s4], s21  }
0x16: {  	_ =	swait.ge [sflag:s23], s21  }
0x17: {  	s2 =	ssub.s32 $0x0, s21;
	[sflag:s23] =	ssyncset.done $0x0  }
0x18: {  	[sflag:s23] =	ssyncadd.s32 s2;
	_ =	sdelay $0x1  }
0x19: {  	s24 =	simm.s32 $0x1B8B  }
0x1a: {  	_ =	swait.ge [sflag:s24], $0x1  }
0x1b: {  	[sflag:s24] =	ssyncset.done $0x0  }
0x1c: {  	s26 =	simm.s32 $0x1B8E;
	s25 =	sld [smem:$0x3FFE];
	[sflag:s24] =	ssyncadd.s32 $0xFFFFFFFF  }
0x1d: {  	s27 =	simm.s32 $execute0_lowered;
	[smem:$0x3FD2] =	sst s26  }
0x1e: {  	s4 =	sshll.u32 s27, $0x1;
	_ =	strace $0x80000049;
	[dreg:$0x1] =	wrdreg $0xFFFFFFFF  }
0x1f: {  	s28 =	simm.s32 $_size_execute0_lowered;
	s1 =	sadd.s32 s1, s4;
	[dreg:$0x0] =	wrdreg $0x0  }
0x20: {  	s4 =	sshll.u32 s28, $0x1;
	[dreg:$0x2] =	wrdreg s1  }
0x21: {  	[dreg:$0x3] =	wrdreg s4  }
0x22: {  	[dreg:$0x4] =	wrdreg $0xC0  }
0x23: {  	_ =	task [dreg:s6], $0x5FFFF  }
0x24: {  	[dreg:$0x1] =	wrdreg $0xFFFFFFFF  }
0x25: {  	[dreg:$0x0] =	wrdreg $0x60  }
0x26: {  	[dreg:$0x2] =	wrdreg s25  }
0x27: {  	[dreg:$0x3] =	wrdreg $0x9  }
0x28: {  	_ =	task.clear_ibuf [dreg:s6], $0x4FFFF;
	_ =	strace $0x90000049  }
0x29: {  	s29 =	simm.s32 $0x9;
	_ =	strace $0x8000004B  }
0x2a: {  	_ =	swait.ge [sflag:s29], $0x1  }
0x2b: {  	[sflag:s29] =	ssyncadd.s32 $0xFFFFFFFF  }
0x2c: {  	_ =	strace $0x9000004B  }
0x2d: {  	_ =	sfence  }
0x2e: {  	s30 =	sld [smem:$0x0];
	_ =	sdelay $0x2  }
0x2f: {  	s31 =	sshll.u32 s3, $0xD;
	s3 =	sshrl.u32 s3, $0x2  }
0x30: {  	s2 =	sand.u32 $0x4000, s31;
	s1 =	sadd.s32 s3, s30  }
0x31: {  	s0 =	sor.u32 s2, s0;
	s1 =	sshll.u32 s1, $0x11  }
0x32: {  	s0 =	sor.u32 s1, s0  }
0x33: {  	s0 =	sadd.s32 $0x8F2B, s0  }
0x34: {  	[sflag:s0] =	ssyncadd.remote.s32 $0x1  }
0x35: {  	_ =	sfence.sel $0xFFFF  }
0x36: {  	[dreg:$0x0] =	wrdreg $0xFFFFFFFF;
	(pc) =	sbr.abs _section_cstart, $3  }
0x37: {  	[dreg:$0x1] =	wrdreg $0xFFFFFFFF  }
0x38: {  	_ =	task.clear_ibuf [dreg:s6], $0x2FFFF;
	_ =	strace $0x9FFFFFFF  }
0x39: {  	(tm) =	ssettm $0x7FFFFFFF  }
tec
execute0_lowered:
.L_overlay_start_1:
0x0: {  	(tag) =	ssettag $0x1  }
0x1: {  	s1 =	srdreg.scid  }
0x2: {  	s0 =	stileid.u32;
	s4 =	rddreg [dreg:$0x0]  }
0x3: {  	s7 =	simm.s32 $0x1;
	s8 =	simm.s32 $0x2;
	s1 =	sshll.u32 s1, $0x4  }
0x4: {  	s15 =	simm.s32 $0x0;
	s9 =	simm.s32 $0x20;
	s1 =	sor.u32 s0, s1  }
0x5: {  	s10 =	simm.s32 $0x200;
	s11 =	simm.s32 $0x0;
	s2 =	sshrl.u32 s1, $0x1  }
0x6: {  	s16 =	simm.s32 $0x0;
	s14 =	simm.s32 $0x0;
	s2 =	sand.u32 $0xE, s2  }
0x7: {  	s3 =	sadd.s32 $0x108E00, s4;
	s4 =	sadd.s32 $0x50AE00, s4;
	s6 =	ssub.s32 $0x100, s2  }
.Ltmp0:
0x8: {  	s1 =	rddreg [dreg:$0x1];
	s5 =	sand.u32 $0xE, s6;
	(pc) =	sbr.rel .LBB1_1-.Ltmp0, $4  }
0x9: {  	_ =	strace $0x8000004A;
	s12 =	smov.u32 s2;
	p0 =	sne.s32 s5, $0x0  }
0xa: {  	s6 =	sshrl.u32 s6, $0x4;
	s5 =	simm.s32 $0x1;
	s7 =	simm.s32 @!p0 $0x0  }
0xb: {  	[sflag:s5] =	ssyncpa.u1 $0x0;
	s6 =	sadd.s32 s7, s6;
	s7 =	sand.u32 $0x3, s0  }
0xc: {  	[sflag:s8] =	ssyncpa.u1 $0x0;
	s8 =	sadd.s32 $0x1, s6;
	s13 =	smov.u32 s7  }
.LBB1_7:
0xd: {  	s17 =	sadd.s32 $0x10, s12  }
0xe: {  	s15 =	sadd.s32 $0x4, s13;
	s19 =	smov.u32 s13;
	p1 =	sgt.s32 s17, $0xFF  }
0xf: {  	s19 =	smov.u32 @p1 s15  }
0x10: {  	s17 =	smov.u32 @p1 s2;
	p1 =	sgt.s32 s19, $0x3  }
0x11: {  	s19 =	smov.u32 @p1 s7;
	p1 =	sne.s32 s14, s8  }
.Ltmp1:
0x12: {  	p0 =	slt.u32 s14, $0x2;
	(pc) =	sbr.rel @!p1 .LBB1_8-.Ltmp1, $4  }
0x13: {  	s18 =	simm.s32 @!p0 $0x2  }
0x14: {  	s16 =	smov.u32 s13;
	s11 =	sadd.s32 $0x4000, s11;
	_ =	swait.ge @!p0 [sflag:s18], $0x4000  }
0x15: {  	s15 =	smov.u32 s12;
	[sflag:s18] =	ssyncset.done @!p0 $0x0;
	s12 =	smov.u32 s17  }
0x16: {  	s14 =	sadd.s32 $0x1, s14;
	[sflag:s18] =	ssyncadd.s32 @!p0 $0xFFFFC000;
	s13 =	smov.u32 s19  }
.LBB1_1:
0x17: {  	p0 =	sge.u32 s14, s6;
	s31 =	sadd.s32 $0xFFFFFFFF, s14  }
0x18: {  	s17 =	sxor.u32 @!p0 $0xFFFFFFFF, s14;
	s18 =	sshll.u32 @!p0 s13, $0x14;
	s19 =	sshll.u32 @!p0 s12, $0xC  }
0x19: {  	s20 =	simm.s32 @!p0 $0x80;
	s17 =	sshll.u32 @!p0 s17, $0xE;
	s18 =	sadd.s32 @!p0 s3, s18  }
0x1a: {  	s17 =	sand.u32 @!p0 $0x4000, s17;
	s18 =	sadd.s32 @!p0 s19, s18;
	s19 =	simm.s32 @!p0 $0x20  }
0x1b: {  	[tilespmem:s17], [sflag:$0x1] =	stream.strided.gather @!p0 [hbm4b:s18+s19], $0x4000, s20, s19, $0x38;
	[tilespmem:$0x10000] =	vst v63  }
0x1c: {  	p0 =	sge.u32 s31, s6  }
.Ltmp2:
0x1d: {  	_ = 	snop;
	(pc) =	sbr.rel @p0 .LBB1_7-.Ltmp2, $1  }
0x1e: {  	_ =	sdelay $0x3  }
0x1f: {  	s17 =	sshll.u32 s11, $0x2  }
0x20: {  	_ =	swait.ge [sflag:s5], $0x4000;
	s18 =	sshll.u32 s14, $0xE;
	s20 =	simm.s32 $0x0  }
0x21: {  	p1 =	por $0x1, $0x1;
	s17 =	sand.u32 $0x10000, s17;
	[sflag:s5] =	ssyncset.done $0x0  }
0x22: {  	s18 =	sand.u32 $0x4000, s18;
	s19 =	sshrl.u32 s17, $0x2;
	[sflag:s5] =	ssyncadd.s32 $0xFFFFC000  }
0x23: {  	s17 =	sor.u32 $0x8000, s18;
	s18 =	sadd.s32 $0x10, s19;
	s19 =	sor.u32 $0x8000, s19  }
.LBB1_3:
0x24: {  	s20 =	sshll.u32 s20, $0x2  }
0x25: {  	s21 =	sshra.s32 s20, $0x2  }
0x26: {  	s20 =	sadd.s32 s21, s18  }
0x27: {  	v0 =	vmov s20;
	_ =	sdelay $0x3  }
0x28: {  	s20 =	simm.s32 $0x0  }
0x29: {  	s21 =	sadd.s32 s21, s19;
	v2 =	vld.idx.msk [tilespmem:v0+s20+$0x0 ss:$0x1], $0xffff  }
0x2a: {  	p0 =	por p1, p1;
	v1 =	vmov s21;
	s21 =	simm.s32 $0x80;
	v3 =	vld.idx.msk [tilespmem:v0+s20+$0xFFFFFFF0 ss:$0x1], $0xffff  }
.LBB1_4:
0x2b: {  	p1 =	sne.s32 s21, $0x7F80  }
.Ltmp3:
0x2c: {  	_ = 	snop;
	(pc) =	sbr.rel @p1 .LBB1_4-.Ltmp3, $4  }
0x2d: {  	_ = 	snop  }
0x2e: {  	s22 =	sshra.s32 s21, $0x2;
	s21 =	sadd.s32 $0x80, s21  }
0x2f: {  	[tilespmem:v1+s20+$0x10 ss:$0x1] =	vst.idx.msk $0xffff, v2;
	v2 =	vld.idx.msk [tilespmem:v0+s22+$0x0 ss:$0x1], $0xffff  }
0x30: {  	[tilespmem:v1+s20+$0x0 ss:$0x1] =	vst.idx.msk $0xffff, v3;
	v3 =	vld.idx.msk [tilespmem:v0+s22+$0xFFFFFFF0 ss:$0x1], $0xffff;
	s20 =	smov.u32 s22  }
0x31: {  	_ = 	snop  }
.Ltmp4:
0x32: {  	_ = 	snop;
	(pc) =	sbr.rel @p0 .LBB1_3-.Ltmp4, $3  }
0x33: {  	_ =	sdelay $0x1  }
0x34: {  	[tilespmem:v1+s20+$0x10 ss:$0x1] =	vst.idx.msk $0xffff, v2  }
0x35: {  	p1 =	por $0x0, $0x0;
	[tilespmem:v1+s20+$0x0 ss:$0x1] =	vst.idx.msk $0xffff, v3;
	s20 =	simm.s32 $0x2000  }
.Ltmp5:
0x36: {  	s16 =	sshll.u32 s16, $0x4;
	(pc) =	sbr.rel .LBB1_7-.Ltmp5, $4  }
0x37: {  	s16 =	sand.u32 $0x30, s16  }
0x38: {  	s15 =	sshll.u32 s15, $0xE;
	s16 =	sadd.s32 s4, s16  }
0x39: {  	s15 =	sadd.s32 s15, s16  }
0x3a: {  	[hbm4b:s15+s9] =	stream.strided.scatter [tilespmem:s17], [sflag:$0x2], $0x4000, s10, s9, $0x38;
	[tilespmem:$0x10000] =	vst v63  }
.LBB1_8:
0x3b: {  	_ =	sfence.sel $0x180000  }
0x3c: {  	s2 =	simm.s32 $0x1;
	[bflag:$0x0] =	sbarrier.arrive $0xFFFF  }
0x3d: {  	s31 =	simm.s32 $0x2;
	[sflag:s2] =	ssyncpa.u1 $0x1  }
0x3e: {  	[sflag:s31] =	ssyncpa.u1 $0x1  }
0x3f: {  	p0 =	sne.s32 s0, $0x0;
	_ =	strace $0x9000004A  }
0x40: {  	s0 =	sadd.s32 @!p0 $0x100000, s1;
	[bflag:$0x2] =	sbarrier.arrive $0xFFFF  }
0x41: {  	[sflag:s0] =	ssyncadd.tile.s32 @!p0 $0x1;
	_ =	shalt  }
.Lfunc_end1:
_tile_overlayer_lowered:
.L_overlay_start_2:
0x42: {  	(tag) =	ssettag $0x2  }
0x43: {  	s0 =	rddreg [dreg:$0x0];
	s2 =	stileid.u32  }
0x44: {  	s1 =	rddreg [dreg:$0x1];
	p0 =	sne.s32 s2, $0x0  }
0x45: {  	s3 =	rddreg [dreg:$0x2];
	[bflag:$0x3] =	sbarrier.arrive $0xFFFF;
	s2 =	simm.s32 @!p0 $0x1C01  }
0x46: {  	[timem:s3], [sflag:s2] =	dma.local @!p0 [hbm:s0], s1  }
0x47: {  	s0 =	simm.s32 @!p0 $0x1  }
0x48: {  	_ =	swait.ge @!p0 [sflag:s0], s1  }
0x49: {  	s1 =	ssub.s32 @!p0 $0x0, s1;
	[sflag:s0] =	ssyncset.done @!p0 $0x0  }
0x4a: {  	[sflag:s0] =	ssyncadd.s32 @!p0 s1  }
0x4b: {  	[bflag:$0x3] =	sbarrier.arrive $0xFFFF  }
0x4c: {  	_ =	shalt  }

// kernel: sparse-core-data-format-call.4.cloned.1.call-start
scs
called_computation.4_lowered:
.L_overlay_start_0:
0x0: {  	s1 =	sld [smem:$0x3FD9]  }
0x1: {  	s2 =	sld [smem:$0x3FFE];
	_ =	sdelay $0x1  }
0x2: {  	s3 =	srdreg.scid  }
0x3: {  	s0 =	sand.u32 $0x1, s3  }
0x4: {  	s17 =	sshll.u32 s0, $0xA;
	s1 =	sadd.s32 s2, s1  }
0x5: {  	s1 =	sadd.s32 s1, s17  }
0x6: {  	[smem:$0x3FB6] =	sst s1  }
0x7: {  	_ = 	snop  }
0x8: {  	(tm) =	ssettm $0x1  }
0x9: {  	s18 =	sld [smem:$0x3FFB];
	_ =	sdelay $0x3  }
0xa: {  	_ =	strace s18  }
0xb: {  	s1 =	sld [smem:$0x3FFC];
	_ =	sdelay $0x3  }
0xc: {  	_ =	strace s1  }
0xd: {  	s1 =	sld [smem:$0x3FFD];
	_ =	sdelay $0x3  }
0xe: {  	_ =	strace s1  }
0xf: {  	_ =	strace $0x8FFFFFFF  }
0x10: {  	s19 =	sld [smem:$0x3FDB];
	_ =	sdelay $0x1  }
0x11: {  	s20 =	simm.s32 $_scs_section_size  }
0x12: {  	s4 =	simm.s32 $_size__tile_overlayer_lowered;
	s5 =	simm.s32 $_tile_overlayer_lowered  }
0x13: {  	s23 =	simm.s32 $0x1BFF;
	s22 =	sshll.u32 s5, $0x1;
	s1 =	sadd.s32 s20, s19  }
0x14: {  	s6 =	simm.s32 $0x0;
	s21 =	sshll.u32 s4, $0x1;
	s4 =	sadd.s32 s22, s1  }
0x15: {  	[timem:s6], [sflag:s23] =	dma.local [hbm:s4], s21  }
0x16: {  	_ =	swait.ge [sflag:s23], s21  }
0x17: {  	s2 =	ssub.s32 $0x0, s21;
	[sflag:s23] =	ssyncset.done $0x0  }
0x18: {  	[sflag:s23] =	ssyncadd.s32 s2;
	_ =	sdelay $0x1  }
0x19: {  	s24 =	simm.s32 $0x1B8B  }
0x1a: {  	_ =	swait.ge [sflag:s24], $0x1  }
0x1b: {  	[sflag:s24] =	ssyncset.done $0x0  }
0x1c: {  	s26 =	simm.s32 $0x1B8E;
	s25 =	sld [smem:$0x3FFE];
	[sflag:s24] =	ssyncadd.s32 $0xFFFFFFFF  }
0x1d: {  	s27 =	simm.s32 $execute0_lowered;
	[smem:$0x3FD2] =	sst s26  }
0x1e: {  	s4 =	sshll.u32 s27, $0x1;
	_ =	strace $0x80000046;
	[dreg:$0x1] =	wrdreg $0xFFFFFFFF  }
0x1f: {  	s28 =	simm.s32 $_size_execute0_lowered;
	s1 =	sadd.s32 s1, s4;
	[dreg:$0x0] =	wrdreg $0x0  }
0x20: {  	s4 =	sshll.u32 s28, $0x1;
	[dreg:$0x2] =	wrdreg s1  }
0x21: {  	[dreg:$0x3] =	wrdreg s4  }
0x22: {  	[dreg:$0x4] =	wrdreg $0xC0  }
0x23: {  	_ =	task [dreg:s6], $0x5FFFF  }
0x24: {  	[dreg:$0x1] =	wrdreg $0xFFFFFFFF  }
0x25: {  	[dreg:$0x0] =	wrdreg $0x60  }
0x26: {  	[dreg:$0x2] =	wrdreg s25  }
0x27: {  	[dreg:$0x3] =	wrdreg $0x9  }
0x28: {  	_ =	task.clear_ibuf [dreg:s6], $0x4FFFF;
	_ =	strace $0x90000046  }
0x29: {  	s29 =	simm.s32 $0x9;
	_ =	strace $0x80000048  }
0x2a: {  	_ =	swait.ge [sflag:s29], $0x1  }
0x2b: {  	[sflag:s29] =	ssyncadd.s32 $0xFFFFFFFF  }
0x2c: {  	_ =	strace $0x90000048  }
0x2d: {  	_ =	sfence  }
0x2e: {  	s30 =	sld [smem:$0x0];
	_ =	sdelay $0x2  }
0x2f: {  	s31 =	sshll.u32 s3, $0xD;
	s3 =	sshrl.u32 s3, $0x2  }
0x30: {  	s2 =	sand.u32 $0x4000, s31;
	s1 =	sadd.s32 s3, s30  }
0x31: {  	s0 =	sor.u32 s2, s0;
	s1 =	sshll.u32 s1, $0x11  }
0x32: {  	s0 =	sor.u32 s1, s0  }
0x33: {  	s0 =	sadd.s32 $0x8F2B, s0  }
0x34: {  	[sflag:s0] =	ssyncadd.remote.s32 $0x1  }
0x35: {  	_ =	sfence.sel $0xFFFF  }
0x36: {  	[dreg:$0x0] =	wrdreg $0xFFFFFFFF;
	(pc) =	sbr.abs _section_cstart, $3  }
0x37: {  	[dreg:$0x1] =	wrdreg $0xFFFFFFFF  }
0x38: {  	_ =	task.clear_ibuf [dreg:s6], $0x2FFFF;
	_ =	strace $0x9FFFFFFF  }
0x39: {  	(tm) =	ssettm $0x7FFFFFFF  }
tec
execute0_lowered:
.L_overlay_start_1:
0x0: {  	(tag) =	ssettag $0x1  }
0x1: {  	s1 =	rddreg [dreg:$0x0]  }
0x2: {  	s0 =	rddreg [dreg:$0x1];
	_ =	strace $0x80000047;
	s4 =	srdreg.scid  }
0x3: {  	s7 =	simm.s32 $0x2;
	s12 =	simm.s32 $0x0;
	p0 =	por $0x0, $0x0  }
0x4: {  	s8 =	simm.s32 $0x80;
	s13 =	simm.s32 $0x0;
	s2 =	sadd.s32 $0x8E00, s1  }
.Ltmp0:
0x5: {  	s3 =	sadd.s32 $0x108E00, s1;
	s4 =	sshll.u32 s4, $0x4;
	(pc) =	sbr.rel .LBB1_1-.Ltmp0, $4  }
0x6: {  	s1 =	stileid.u32;
	s5 =	sand.u32 $0x10, s4;
	s4 =	simm.s32 $0x1  }
0x7: {  	s9 =	simm.s32 $0x0;
	s6 =	sor.u32 s1, s5;
	[sflag:s4] =	ssyncpa.u1 $0x0  }
0x8: {  	s5 =	sand.u32 $0x3, s1;
	s6 =	sshrl.u32 s6, $0x2;
	[sflag:s7] =	ssyncpa.u1 $0x0  }
0x9: {  	s7 =	simm.s32 $0x20;
	s11 =	smov.u32 s5;
	s10 =	smov.u32 s6  }
.LBB1_9:
0xa: {  	s14 =	sadd.s32 $0x8, s10  }
0xb: {  	s12 =	sadd.s32 $0x4, s11;
	s16 =	smov.u32 s11;
	p2 =	sgt.s32 s14, $0x7F  }
0xc: {  	p1 =	slt.u32 s9, $0x2;
	s16 =	smov.u32 @p2 s12  }
0xd: {  	s9 =	sadd.s32 $0x1, s9;
	s14 =	smov.u32 @p2 s6;
	p2 =	sgt.s32 s16, $0x3  }
0xe: {  	s16 =	smov.u32 @p2 s5;
	p2 =	sne.s32 s9, $0x12  }
.Ltmp1:
0xf: {  	_ = 	snop;
	(pc) =	sbr.rel @!p2 .LBB1_10-.Ltmp1, $4  }
0x10: {  	s15 =	simm.s32 @!p1 $0x2  }
0x11: {  	s13 =	smov.u32 s11;
	_ =	swait.ge @!p1 [sflag:s15], $0x4000  }
0x12: {  	p0 =	por !p0, !p0;
	s12 =	smov.u32 s10;
	[sflag:s15] =	ssyncset.done @!p1 $0x0  }
0x13: {  	s10 =	smov.u32 s14;
	[sflag:s15] =	ssyncadd.s32 @!p1 $0xFFFFC000;
	s11 =	smov.u32 s16  }
.LBB1_1:
0x14: {  	p1 =	sgt.u32 s9, $0xF  }
0x15: {  	s14 =	sxor.u32 @!p1 $0xFFFFFFFF, s9;
	s15 =	sshll.u32 @!p1 s11, $0x12  }
0x16: {  	s16 =	sshll.u32 @!p1 s10, $0xB;
	s14 =	sshll.u32 @!p1 s14, $0xE;
	s15 =	sadd.s32 @!p1 s2, s15  }
0x17: {  	s14 =	sand.u32 @!p1 $0x4000, s14;
	s15 =	sadd.s32 @!p1 s16, s15;
	s16 =	simm.s32 @!p1 $0x0  }
0x18: {  	[tilespmem:s14], [sflag:$0x1] =	stream.linear.gather @!p1 [hbm4b:s15+s16], $0x4000, $0x38;
	[tilespmem:$0x10400] =	vst v63  }
0x19: {  	p1 =	seq.s32 s9, $0x0  }
0x1a: {  	p2 =	seq.s32 @!p1 s9, $0x11  }
0x1b: {  	p1 =	por p1, p2  }
.Ltmp2:
0x1c: {  	_ = 	snop;
	(pc) =	sbr.rel @p1 .LBB1_9-.Ltmp2, $1  }
0x1d: {  	_ =	sdelay $0x3  }
0x1e: {  	s14 =	simm.s32 $0x1;
	s16 =	sand.u32 $0x1, s9  }
0x1f: {  	_ =	swait.ge [sflag:s4], $0x4000;
	s14 =	simm.s32 @!p0 $0x0;
	s16 =	smul.u32 $0x10800, s16  }
0x20: {  	p2 =	por $0x1, $0x1;
	[sflag:s4] =	ssyncset.done $0x0;
	s15 =	smul.u32 $0x10800, s14  }
0x21: {  	s17 =	sshll.u32 s14, $0x10;
	[sflag:s4] =	ssyncadd.s32 $0xFFFFC000;
	s30 =	sshrl.u32 s16, $0x2  }
0x22: {  	s31 =	sshrl.u32 s17, $0x2;
	s17 =	simm.s32 $0x0;
	s15 =	sshrl.u32 s15, $0x2  }
0x23: {  	s14 =	sor.u32 $0x8000, s30;
	s16 =	sadd.s32 $0x40, s31;
	s15 =	sor.u32 $0x8000, s15  }
.LBB1_3:
0x24: {  	s18 =	smul.u32 $0x8400, s17  }
0x25: {  	s19 =	sshll.u32 s17, $0xD;
	p1 =	por p2, p2  }
0x26: {  	p3 =	por $0x1, $0x1;
	s31 =	sand.u32 $0x3FFFE000, s19;
	s18 =	sshra.s32 s18, $0x2  }
0x27: {  	s19 =	simm.s32 $0x0;
	s17 =	sadd.s32 s18, s15;
	s18 =	sadd.s32 s31, s16  }
.LBB1_4:
0x28: {  	s20 =	sshll.u32 s19, $0xC  }
0x29: {  	s20 =	sand.u32 $0x3FFFF000, s20  }
0x2a: {  	s21 =	sadd.s32 s20, s18  }
0x2b: {  	s31 =	sand.u32 $0x1, s19;
	v0 =	vld [tilespmem:s21+$0x30]  }
0x2c: {  	s19 =	simm.s32 $0x21;
	p2 =	seq.s32 s31, $0x1;
	v1 =	vld [tilespmem:s21+$0xFFFFFFD0]  }
0x2d: {  	s19 =	simm.s32 @!p2 $0x0;
	v5 =	vld [tilespmem:s21+$0xFFFFFFE0]  }
0x2e: {  	s19 =	sadd.s32 s19, s17;
	v6 =	vld [tilespmem:s21+$0xFFFFFFF0]  }
0x2f: {  	v2 =	vld [tilespmem:s21+$0x0];
	s20 =	sadd.s32 $0x0, s19  }
0x30: {  	v3 =	vld [tilespmem:s21+$0x10];
	[tilespmem:s20+$0x1CE0 ss:$0x42] =	vst.msk $0xffff, v0  }
0x31: {  	v4 =	vld [tilespmem:s21+$0x20];
	[tilespmem:s20+$0x420 ss:$0x42] =	vst.msk $0xffff, v1  }
0x32: {  	v0 =	vld [tilespmem:s21+$0xFFFFFFC0];
	[tilespmem:s20+$0x840 ss:$0x42] =	vst.msk $0xffff, v5;
	s21 =	sadd.s32 $0x80, s21  }
0x33: {  	s22 =	simm.s32 $0x4;
	s23 =	simm.s32 $0x8;
	p2 =	por p3, p3;
	[tilespmem:s20+$0xC60 ss:$0x42] =	vst.msk $0xffff, v6;
	v1 =	vld [tilespmem:s21+$0x30]  }
.LBB1_5:
0x34: {  	p3 =	sne.s32 s23, $0x7C;
	v5 =	vld [tilespmem:s21+$0xFFFFFFD0];
	[tilespmem:s20+$0x1080 ss:$0x42] =	vst.msk $0xffff, v2  }
0x35: {  	v6 =	vld [tilespmem:s21+$0xFFFFFFE0];
	[tilespmem:s20+$0x14A0 ss:$0x42] =	vst.msk $0xffff, v3  }
0x36: {  	s24 =	sshra.s32 s22, $0x2;
	s22 =	smov.u32 s23;
	v7 =	vld [tilespmem:s21+$0xFFFFFFF0];
	[tilespmem:s20+$0x18C0 ss:$0x42] =	vst.msk $0xffff, v4  }
.Ltmp3:
0x37: {  	v2 =	vld [tilespmem:s21+$0x0];
	[tilespmem:s20+$0x0 ss:$0x42] =	vst.msk $0xffff, v0;
	s20 =	sadd.s32 s24, s19;
	(pc) =	sbr.rel @p3 .LBB1_5-.Ltmp3, $4  }
0x38: {  	v3 =	vld [tilespmem:s21+$0x10];
	[tilespmem:s20+$0x1CE0 ss:$0x42] =	vst.msk $0xffff, v1  }
0x39: {  	[tilespmem:s20+$0x420 ss:$0x42] =	vst.msk $0xffff, v5;
	v4 =	vld [tilespmem:s21+$0x20]  }
0x3a: {  	v0 =	vld [tilespmem:s21+$0xFFFFFFC0];
	[tilespmem:s20+$0x840 ss:$0x42] =	vst.msk $0xffff, v6;
	s21 =	sadd.s32 $0x80, s21  }
0x3b: {  	s23 =	sadd.s32 $0x4, s23;
	v1 =	vld [tilespmem:s21+$0x30];
	[tilespmem:s20+$0xC60 ss:$0x42] =	vst.msk $0xffff, v7  }
0x3c: {  	v5 =	vld [tilespmem:s21+$0xFFFFFFD0];
	[tilespmem:s20+$0x1080 ss:$0x42] =	vst.msk $0xffff, v2  }
0x3d: {  	v58 =	vld [tilespmem:s21+$0xFFFFFFE0];
	[tilespmem:s20+$0x14A0 ss:$0x42] =	vst.msk $0xffff, v3  }
0x3e: {  	s22 =	sshra.s32 s22, $0x2;
	v59 =	vld [tilespmem:s21+$0xFFFFFFF0];
	[tilespmem:s20+$0x18C0 ss:$0x42] =	vst.msk $0xffff, v4  }
0x3f: {  	v60 =	vld [tilespmem:s21+$0x0];
	s19 =	sadd.s32 s22, s19;
	[tilespmem:s20+$0x0 ss:$0x42] =	vst.msk $0xffff, v0  }
0x40: {  	v61 =	vld [tilespmem:s21+$0x10];
	[tilespmem:s19+$0x1CE0 ss:$0x42] =	vst.msk $0xffff, v1  }
0x41: {  	v62 =	vld [tilespmem:s21+$0x20];
	[tilespmem:s19+$0x420 ss:$0x42] =	vst.msk $0xffff, v5  }
0x42: {  	v63 =	vld [tilespmem:s21+$0xFFFFFFC0];
	[tilespmem:s19+$0x840 ss:$0x42] =	vst.msk $0xffff, v58  }
.Ltmp4:
0x43: {  	[tilespmem:s19+$0xC60 ss:$0x42] =	vst.msk $0xffff, v59;
	(pc) =	sbr.rel @p2 .LBB1_4-.Ltmp4, $4  }
0x44: {  	[tilespmem:s19+$0x1080 ss:$0x42] =	vst.msk $0xffff, v60  }
0x45: {  	[tilespmem:s19+$0x14A0 ss:$0x42] =	vst.msk $0xffff, v61  }
0x46: {  	[tilespmem:s19+$0x18C0 ss:$0x42] =	vst.msk $0xffff, v62  }
0x47: {  	p3 =	por $0x0, $0x0;
	[tilespmem:s19+$0x0 ss:$0x42] =	vst.msk $0xffff, v63;
	s19 =	simm.s32 $0x1  }
.Ltmp5:
0x48: {  	(pc) =	sbr.rel @p1 .LBB1_3-.Ltmp5, $2  }
0x49: {  	_ =	sdelay $0x2  }
0x4a: {  	s17 =	simm.s32 $0x1;
	p2 =	por $0x0, $0x0  }
.Ltmp6:
0x4b: {  	(pc) =	sbr.rel .LBB1_9-.Ltmp6, $4  }
0x4c: {  	s13 =	sshll.u32 s13, $0x14  }
0x4d: {  	s12 =	sshll.u32 s12, $0xD;
	s13 =	sadd.s32 s3, s13  }
0x4e: {  	s12 =	sadd.s32 s12, s13  }
0x4f: {  	[hbm4b:s12+s7] =	stream.strided.scatter [tilespmem:s14], [sflag:$0x2], $0x4000, s8, s7, $0x10;
	[tilespmem:$0x10400] =	vst v63  }
.LBB1_10:
0x50: {  	_ =	sfence.sel $0x180000  }
0x51: {  	s2 =	simm.s32 $0x1;
	[bflag:$0x0] =	sbarrier.arrive $0xFFFF  }
0x52: {  	s31 =	simm.s32 $0x2;
	[sflag:s2] =	ssyncpa.u1 $0x1  }
0x53: {  	[sflag:s31] =	ssyncpa.u1 $0x1  }
0x54: {  	p0 =	sne.s32 s1, $0x0;
	_ =	strace $0x90000047  }
0x55: {  	s0 =	sadd.s32 @!p0 $0x100000, s0;
	[bflag:$0x2] =	sbarrier.arrive $0xFFFF  }
0x56: {  	[sflag:s0] =	ssyncadd.tile.s32 @!p0 $0x1;
	_ =	shalt  }
.Lfunc_end1:
_tile_overlayer_lowered:
.L_overlay_start_2:
0x57: {  	(tag) =	ssettag $0x2  }
0x58: {  	s0 =	rddreg [dreg:$0x0];
	s2 =	stileid.u32  }
0x59: {  	s1 =	rddreg [dreg:$0x1];
	p0 =	sne.s32 s2, $0x0  }
0x5a: {  	s3 =	rddreg [dreg:$0x2];
	[bflag:$0x3] =	sbarrier.arrive $0xFFFF;
	s2 =	simm.s32 @!p0 $0x1C01  }
0x5b: {  	[timem:s3], [sflag:s2] =	dma.local @!p0 [hbm:s0], s1  }
0x5c: {  	s0 =	simm.s32 @!p0 $0x1  }
0x5d: {  	_ =	swait.ge @!p0 [sflag:s0], s1  }
0x5e: {  	s1 =	ssub.s32 @!p0 $0x0, s1;
	[sflag:s0] =	ssyncset.done @!p0 $0x0  }
0x5f: {  	[sflag:s0] =	ssyncadd.s32 @!p0 s1  }
0x60: {  	[bflag:$0x3] =	sbarrier.arrive $0xFFFF  }
0x61: {  	_ =	shalt  }

// kernel: sparse-core-data-format-call.cloned.1.call-start
scs
called_computation_lowered:
.L_overlay_start_0:
0x0: {  	s1 =	sld [smem:$0x3FD9]  }
0x1: {  	s2 =	sld [smem:$0x3FFE];
	_ =	sdelay $0x1  }
0x2: {  	s3 =	srdreg.scid  }
0x3: {  	s0 =	sand.u32 $0x1, s3  }
0x4: {  	s17 =	sshll.u32 s0, $0xA;
	s1 =	sadd.s32 s2, s1  }
0x5: {  	s1 =	sadd.s32 s1, s17  }
0x6: {  	[smem:$0x3FB6] =	sst s1  }
0x7: {  	_ = 	snop  }
0x8: {  	(tm) =	ssettm $0x1  }
0x9: {  	s18 =	sld [smem:$0x3FFB];
	_ =	sdelay $0x3  }
0xa: {  	_ =	strace s18  }
0xb: {  	s1 =	sld [smem:$0x3FFC];
	_ =	sdelay $0x3  }
0xc: {  	_ =	strace s1  }
0xd: {  	s1 =	sld [smem:$0x3FFD];
	_ =	sdelay $0x3  }
0xe: {  	_ =	strace s1  }
0xf: {  	_ =	strace $0x8FFFFFFF  }
0x10: {  	s19 =	sld [smem:$0x3FDB];
	_ =	sdelay $0x1  }
0x11: {  	s20 =	simm.s32 $_scs_section_size  }
0x12: {  	s4 =	simm.s32 $_size__tile_overlayer_lowered;
	s5 =	simm.s32 $_tile_overlayer_lowered  }
0x13: {  	s23 =	simm.s32 $0x1BFF;
	s22 =	sshll.u32 s5, $0x1;
	s1 =	sadd.s32 s20, s19  }
0x14: {  	s6 =	simm.s32 $0x0;
	s21 =	sshll.u32 s4, $0x1;
	s4 =	sadd.s32 s22, s1  }
0x15: {  	[timem:s6], [sflag:s23] =	dma.local [hbm:s4], s21  }
0x16: {  	_ =	swait.ge [sflag:s23], s21  }
0x17: {  	s2 =	ssub.s32 $0x0, s21;
	[sflag:s23] =	ssyncset.done $0x0  }
0x18: {  	[sflag:s23] =	ssyncadd.s32 s2;
	_ =	sdelay $0x1  }
0x19: {  	s24 =	simm.s32 $0x1B8B  }
0x1a: {  	_ =	swait.ge [sflag:s24], $0x1  }
0x1b: {  	[sflag:s24] =	ssyncset.done $0x0  }
0x1c: {  	s26 =	simm.s32 $0x1B8E;
	s25 =	sld [smem:$0x3FFE];
	[sflag:s24] =	ssyncadd.s32 $0xFFFFFFFF  }
0x1d: {  	s27 =	simm.s32 $execute0_lowered;
	[smem:$0x3FD2] =	sst s26  }
0x1e: {  	s4 =	sshll.u32 s27, $0x1;
	_ =	strace $0x80000055;
	[dreg:$0x1] =	wrdreg $0xFFFFFFFF  }
0x1f: {  	s28 =	simm.s32 $_size_execute0_lowered;
	s1 =	sadd.s32 s1, s4;
	[dreg:$0x0] =	wrdreg $0x0  }
0x20: {  	s4 =	sshll.u32 s28, $0x1;
	[dreg:$0x2] =	wrdreg s1  }
0x21: {  	[dreg:$0x3] =	wrdreg s4  }
0x22: {  	[dreg:$0x4] =	wrdreg $0xC0  }
0x23: {  	_ =	task [dreg:s6], $0x5FFFF  }
0x24: {  	[dreg:$0x1] =	wrdreg $0xFFFFFFFF  }
0x25: {  	[dreg:$0x0] =	wrdreg $0x60  }
0x26: {  	[dreg:$0x2] =	wrdreg s25  }
0x27: {  	[dreg:$0x3] =	wrdreg $0x9  }
0x28: {  	_ =	task.clear_ibuf [dreg:s6], $0x4FFFF;
	_ =	strace $0x90000055  }
0x29: {  	s29 =	simm.s32 $0x9;
	_ =	strace $0x80000057  }
0x2a: {  	_ =	swait.ge [sflag:s29], $0x1  }
0x2b: {  	[sflag:s29] =	ssyncadd.s32 $0xFFFFFFFF  }
0x2c: {  	_ =	strace $0x90000057  }
0x2d: {  	_ =	sfence  }
0x2e: {  	s30 =	sld [smem:$0x0];
	_ =	sdelay $0x2  }
0x2f: {  	s31 =	sshll.u32 s3, $0xD;
	s3 =	sshrl.u32 s3, $0x2  }
0x30: {  	s2 =	sand.u32 $0x4000, s31;
	s1 =	sadd.s32 s3, s30  }
0x31: {  	s0 =	sor.u32 s2, s0;
	s1 =	sshll.u32 s1, $0x11  }
0x32: {  	s0 =	sor.u32 s1, s0  }
0x33: {  	s0 =	sadd.s32 $0x8F2B, s0  }
0x34: {  	[sflag:s0] =	ssyncadd.remote.s32 $0x1  }
0x35: {  	_ =	sfence.sel $0xFFFF  }
0x36: {  	[dreg:$0x0] =	wrdreg $0xFFFFFFFF;
	(pc) =	sbr.abs _section_cstart, $3  }
0x37: {  	[dreg:$0x1] =	wrdreg $0xFFFFFFFF  }
0x38: {  	_ =	task.clear_ibuf [dreg:s6], $0x2FFFF;
	_ =	strace $0x9FFFFFFF  }
0x39: {  	(tm) =	ssettm $0x7FFFFFFF  }
tec
execute0_lowered:
.L_overlay_start_1:
0x0: {  	(tag) =	ssettag $0x1  }
0x1: {  	s1 =	rddreg [dreg:$0x0]  }
0x2: {  	s0 =	rddreg [dreg:$0x1];
	s3 =	srdreg.scid  }
0x3: {  	_ =	strace $0x80000056;
	s5 =	simm.s32 $0x1;
	s7 =	simm.s32 $0x2  }
0x4: {  	s13 =	simm.s32 $0x0;
	p0 =	por $0x0, $0x0;
	s8 =	simm.s32 $0x80  }
0x5: {  	s14 =	simm.s32 $0x0;
	s15 =	simm.s32 $0x0;
	s10 =	simm.s32 $0x0  }
.Ltmp0:
0x6: {  	s2 =	sadd.s32 $0x8E00, s1;
	s4 =	sshll.u32 s3, $0x4;
	(pc) =	sbr.rel .LBB1_1-.Ltmp0, $4  }
0x7: {  	s3 =	sadd.s32 $0x408E00, s1;
	s1 =	stileid.u32;
	s4 =	sand.u32 $0x10, s4  }
0x8: {  	s9 =	simm.s32 $0x0;
	[sflag:s5] =	ssyncpa.u1 $0x0;
	s6 =	sor.u32 s1, s4  }
0x9: {  	[sflag:s7] =	ssyncpa.u1 $0x0;
	s4 =	sand.u32 $0x3, s1;
	s6 =	sshrl.u32 s6, $0x2  }
0xa: {  	s7 =	simm.s32 $0x20;
	s12 =	smov.u32 s4;
	s11 =	smov.u32 s6  }
.LBB1_7:
0xb: {  	s16 =	sadd.s32 $0x1, s10  }
0xc: {  	s13 =	sadd.s32 $0x8, s11;
	s17 =	smov.u32 s11;
	p2 =	sgt.s32 s16, $0x1  }
0xd: {  	s17 =	smov.u32 @p2 s13  }
0xe: {  	s19 =	smov.u32 s12;
	s13 =	sadd.s32 $0x4, s12;
	p3 =	sgt.s32 s17, $0xFF  }
0xf: {  	p1 =	slt.u32 s9, $0x2;
	s19 =	smov.u32 @p3 s13  }
0x10: {  	s9 =	sadd.s32 $0x1, s9;
	s16 =	simm.s32 @p2 $0x0;
	p2 =	sgt.s32 s19, $0x3  }
0x11: {  	s19 =	smov.u32 @p2 s4;
	p2 =	sne.s32 s9, $0x42  }
.Ltmp1:
0x12: {  	s18 =	simm.s32 @!p1 $0x2;
	(pc) =	sbr.rel @!p2 .LBB1_8-.Ltmp1, $4  }
0x13: {  	s14 =	smov.u32 s11;
	_ =	swait.ge @!p1 [sflag:s18], $0x4000  }
0x14: {  	s15 =	smov.u32 s12;
	p0 =	por !p0, !p0;
	[sflag:s18] =	ssyncset.done @!p1 $0x0  }
0x15: {  	s17 =	smov.u32 @p3 s6;
	s13 =	smov.u32 s10;
	[sflag:s18] =	ssyncadd.s32 @!p1 $0xFFFFC000  }
0x16: {  	s10 =	smov.u32 s16;
	s11 =	smov.u32 s17;
	s12 =	smov.u32 s19  }
.LBB1_1:
0x17: {  	p1 =	sgt.u32 s9, $0x3F  }
0x18: {  	s16 =	sshll.u32 @!p1 s12, $0x14  }
0x19: {  	s17 =	sxor.u32 @!p1 $0xFFFFFFFF, s9;
	s18 =	sshll.u32 @!p1 s11, $0xC;
	s16 =	sadd.s32 @!p1 s2, s16  }
0x1a: {  	s19 =	sshll.u32 @!p1 s10, $0xB;
	s17 =	sshll.u32 @!p1 s17, $0xE;
	s16 =	sadd.s32 @!p1 s18, s16  }
0x1b: {  	s17 =	sand.u32 @!p1 $0x4000, s17;
	s18 =	simm.s32 @!p1 $0x0;
	s16 =	sadd.s32 @!p1 s19, s16  }
0x1c: {  	[tilespmem:s17], [sflag:$0x1] =	stream.linear.gather @!p1 [hbm4b:s16+s18], $0x4000, $0x38;
	[tilespmem:$0x10400] =	vst v63  }
0x1d: {  	p1 =	seq.s32 s9, $0x0  }
0x1e: {  	p2 =	seq.s32 @!p1 s9, $0x41  }
0x1f: {  	p1 =	por p1, p2  }
.Ltmp2:
0x20: {  	_ = 	snop;
	(pc) =	sbr.rel @p1 .LBB1_7-.Ltmp2, $1  }
0x21: {  	_ =	sdelay $0x3  }
0x22: {  	s16 =	simm.s32 $0x1;
	s17 =	sand.u32 $0x1, s9  }
0x23: {  	s16 =	simm.s32 @!p0 $0x0;
	s18 =	smul.u32 $0x10800, s17  }
0x24: {  	_ =	swait.ge [sflag:s5], $0x4000;
	p2 =	por $0x1, $0x1;
	s16 =	smul.u32 $0x10800, s16  }
0x25: {  	s21 =	simm.s32 $0x0;
	[sflag:s5] =	ssyncset.done $0x0;
	s17 =	sshll.u32 s17, $0xE  }
0x26: {  	[sflag:s5] =	ssyncadd.s32 $0xFFFFC000;
	s18 =	sshrl.u32 s18, $0x2;
	s19 =	sshrl.u32 s16, $0x2  }
0x27: {  	s16 =	sor.u32 $0x8000, s18;
	s18 =	sor.u32 $0x8000, s19;
	s19 =	simm.s32 $0x0  }
.LBB1_3:
0x28: {  	s20 =	sshll.u32 s21, $0xD  }
0x29: {  	s29 =	sand.u32 $0x1800, s19;
	s30 =	sand.u32 $0x380, s19;
	v1 =	vmov s20  }
0x2a: {  	s22 =	sadd.s32 s20, s17;
	s20 =	sor.u32 s30, s29  }
0x2b: {  	v0 =	vmov s22;
	s22 =	sand.u32 $0x1B00, s20  }
0x2c: {  	s23 =	sand.u32 $0x80, s19;
	s22 =	sadd.s32 s22, s17  }
0x2d: {  	s23 =	sadd.s32 s23, s22  }
0x2e: {  	v5 =	vld.idx.msk [tilespmem:v1+s23+$0x400 ss:$0x1], $0xffff  }
0x2f: {  	v6 =	vld.idx.msk [tilespmem:v1+s23+$0x0 ss:$0x1], $0xffff  }
0x30: {  	v7 =	vld.idx.msk [tilespmem:v1+s23+$0x10 ss:$0x1], $0xffff  }
0x31: {  	v11 =	vld.idx.msk [tilespmem:v1+s23+$0x20 ss:$0x1], $0xffff  }
0x32: {  	s31 =	sand.u32 $0x1, s21;
	v12 =	vld.idx.msk [tilespmem:v1+s23+$0x30 ss:$0x1], $0xffff  }
0x33: {  	s21 =	simm.s32 $0x21;
	p1 =	seq.s32 s31, $0x1;
	v13 =	vld.idx.msk [tilespmem:v1+s23+$0x40 ss:$0x1], $0xffff  }
0x34: {  	s21 =	simm.s32 @!p1 $0x0;
	v10 =	vld.idx.msk [tilespmem:v1+s23+$0x50 ss:$0x1], $0xffff  }
0x35: {  	s21 =	sadd.s32 s21, s18;
	v9 =	vld.idx.msk [tilespmem:v1+s23+$0x60 ss:$0x1], $0xffff  }
0x36: {  	s22 =	sadd.s32 $0x0, s21;
	v8 =	vld.idx.msk [tilespmem:v1+s23+$0x70 ss:$0x1], $0xffff  }
0x37: {  	v2 =	vld.idx.msk [tilespmem:v0+s20+$0x410 ss:$0x1], $0xffff;
	[tilespmem:s22+$0x2100 ss:$0x42] =	vst.msk $0xffff, v5  }
0x38: {  	v3 =	vld.idx.msk [tilespmem:v0+s20+$0x420 ss:$0x1], $0xffff;
	[tilespmem:s22+$0x0 ss:$0x42] =	vst.msk $0xffff, v6  }
0x39: {  	v4 =	vld.idx.msk [tilespmem:v0+s20+$0x430 ss:$0x1], $0xffff;
	[tilespmem:s22+$0x420 ss:$0x42] =	vst.msk $0xffff, v7  }
0x3a: {  	s25 =	simm.s32 $0x100;
	[tilespmem:s22+$0x840 ss:$0x42] =	vst.msk $0xffff, v11;
	v5 =	vld.idx.msk [tilespmem:v0+s20+$0x440 ss:$0x1], $0xffff  }
0x3b: {  	s24 =	simm.s32 $0x80;
	s26 =	simm.s32 $0x8;
	s27 =	sand.u32 $0x1800, s25;
	[tilespmem:s22+$0xC60 ss:$0x42] =	vst.msk $0xffff, v12;
	v6 =	vld.idx.msk [tilespmem:v0+s20+$0x450 ss:$0x1], $0xffff  }
0x3c: {  	s28 =	sand.u32 $0x380, s24;
	p1 =	por p2, p2;
	s23 =	simm.s32 $0x4;
	[tilespmem:s22+$0x1080 ss:$0x42] =	vst.msk $0xffff, v13;
	v7 =	vld.idx.msk [tilespmem:v0+s20+$0x460 ss:$0x1], $0xffff  }
.LBB1_4:
0x3d: {  	p2 =	sne.s32 s26, $0x7C;
	[tilespmem:s22+$0x14A0 ss:$0x42] =	vst.msk $0xffff, v10;
	v10 =	vld.idx.msk [tilespmem:v0+s20+$0x470 ss:$0x1], $0xffff;
	s20 =	sor.u32 s28, s27  }
0x3e: {  	s27 =	sand.u32 $0x1B00, s20;
	v11 =	vld.idx.msk [tilespmem:v0+s20+$0x410 ss:$0x1], $0xffff;
	[tilespmem:s22+$0x18C0 ss:$0x42] =	vst.msk $0xffff, v9  }
0x3f: {  	s28 =	sand.u32 $0x80, s24;
	s27 =	sadd.s32 s27, s17;
	v9 =	vld.idx.msk [tilespmem:v0+s20+$0x420 ss:$0x1], $0xffff;
	[tilespmem:s22+$0x1CE0 ss:$0x42] =	vst.msk $0xffff, v8  }
0x40: {  	s27 =	sadd.s32 s28, s27;
	v8 =	vld.idx.msk [tilespmem:v0+s20+$0x430 ss:$0x1], $0xffff;
	[tilespmem:s22+$0x2520 ss:$0x42] =	vst.msk $0xffff, v2  }
0x41: {  	v12 =	vld.idx.msk [tilespmem:v1+s27+$0x400 ss:$0x1], $0xffff;
	[tilespmem:s22+$0x2940 ss:$0x42] =	vst.msk $0xffff, v3  }
0x42: {  	v13 =	vld.idx.msk [tilespmem:v1+s27+$0x0 ss:$0x1], $0xffff;
	[tilespmem:s22+$0x2D60 ss:$0x42] =	vst.msk $0xffff, v4  }
0x43: {  	v14 =	vld.idx.msk [tilespmem:v1+s27+$0x10 ss:$0x1], $0xffff;
	[tilespmem:s22+$0x3180 ss:$0x42] =	vst.msk $0xffff, v5  }
0x44: {  	v2 =	vmov v11;
	v5 =	vld.idx.msk [tilespmem:v1+s27+$0x20 ss:$0x1], $0xffff;
	[tilespmem:s22+$0x35A0 ss:$0x42] =	vst.msk $0xffff, v6  }
0x45: {  	s28 =	sshra.s32 s23, $0x2;
	s23 =	smov.u32 s26;
	v3 =	vmov v9;
	v6 =	vld.idx.msk [tilespmem:v1+s27+$0x30 ss:$0x1], $0xffff;
	[tilespmem:s22+$0x39C0 ss:$0x42] =	vst.msk $0xffff, v7  }
0x46: {  	v4 =	vmov v8;
	v7 =	vld.idx.msk [tilespmem:v1+s27+$0x40 ss:$0x1], $0xffff;
	[tilespmem:s22+$0x3DE0 ss:$0x42] =	vst.msk $0xffff, v10;
	s22 =	sadd.s32 s28, s21  }
0x47: {  	v10 =	vld.idx.msk [tilespmem:v1+s27+$0x50 ss:$0x1], $0xffff;
	[tilespmem:s22+$0x2100 ss:$0x42] =	vst.msk $0xffff, v12  }
.Ltmp3:
0x48: {  	[tilespmem:s22+$0x0 ss:$0x42] =	vst.msk $0xffff, v13;
	v9 =	vld.idx.msk [tilespmem:v1+s27+$0x60 ss:$0x1], $0xffff;
	(pc) =	sbr.rel @p2 .LBB1_4-.Ltmp3, $4  }
0x49: {  	[tilespmem:s22+$0x420 ss:$0x42] =	vst.msk $0xffff, v14;
	v8 =	vld.idx.msk [tilespmem:v1+s27+$0x70 ss:$0x1], $0xffff  }
0x4a: {  	[tilespmem:s22+$0x840 ss:$0x42] =	vst.msk $0xffff, v5;
	v5 =	vld.idx.msk [tilespmem:v0+s20+$0x440 ss:$0x1], $0xffff  }
0x4b: {  	s24 =	sadd.s32 $0x80, s24;
	s25 =	sadd.s32 $0x100, s25;
	[tilespmem:s22+$0xC60 ss:$0x42] =	vst.msk $0xffff, v6;
	v6 =	vld.idx.msk [tilespmem:v0+s20+$0x450 ss:$0x1], $0xffff  }
0x4c: {  	s26 =	sadd.s32 $0x4, s26;
	s28 =	sand.u32 $0x380, s24;
	s27 =	sand.u32 $0x1800, s25;
	[tilespmem:s22+$0x1080 ss:$0x42] =	vst.msk $0xffff, v7;
	v7 =	vld.idx.msk [tilespmem:v0+s20+$0x460 ss:$0x1], $0xffff  }
0x4d: {  	[tilespmem:s22+$0x14A0 ss:$0x42] =	vst.msk $0xffff, v10  }
0x4e: {  	[tilespmem:s22+$0x18C0 ss:$0x42] =	vst.msk $0xffff, v9  }
0x4f: {  	[tilespmem:s22+$0x2520 ss:$0x42] =	vst.msk $0xffff, v2  }
0x50: {  	[tilespmem:s22+$0x2940 ss:$0x42] =	vst.msk $0xffff, v3  }
0x51: {  	s25 =	sor.u32 s28, s27;
	v47 =	vld.idx.msk [tilespmem:v0+s20+$0x470 ss:$0x1], $0xffff;
	[tilespmem:s22+$0x2D60 ss:$0x42] =	vst.msk $0xffff, v4  }
0x52: {  	[tilespmem:s22+$0x1CE0 ss:$0x42] =	vst.msk $0xffff, v8;
	v57 =	vld.idx.msk [tilespmem:v0+s25+$0x410 ss:$0x1], $0xffff  }
0x53: {  	v58 =	vld.idx.msk [tilespmem:v0+s25+$0x420 ss:$0x1], $0xffff;
	[tilespmem:s22+$0x3180 ss:$0x42] =	vst.msk $0xffff, v5  }
0x54: {  	v59 =	vld.idx.msk [tilespmem:v0+s25+$0x430 ss:$0x1], $0xffff;
	[tilespmem:s22+$0x35A0 ss:$0x42] =	vst.msk $0xffff, v6  }
0x55: {  	s23 =	sshra.s32 s23, $0x2;
	v60 =	vld.idx.msk [tilespmem:v0+s25+$0x440 ss:$0x1], $0xffff;
	[tilespmem:s22+$0x39C0 ss:$0x42] =	vst.msk $0xffff, v7  }
0x56: {  	s26 =	sand.u32 $0x1B00, s25;
	s21 =	sadd.s32 s23, s21;
	v61 =	vld.idx.msk [tilespmem:v0+s25+$0x450 ss:$0x1], $0xffff;
	[tilespmem:s22+$0x3DE0 ss:$0x42] =	vst.msk $0xffff, v47  }
0x57: {  	s24 =	sand.u32 $0x80, s24;
	v62 =	vld.idx.msk [tilespmem:v0+s25+$0x460 ss:$0x1], $0xffff;
	s26 =	sadd.s32 s26, s17;
	[tilespmem:s21+$0x2520 ss:$0x42] =	vst.msk $0xffff, v57  }
0x58: {  	v63 =	vld.idx.msk [tilespmem:v0+s25+$0x470 ss:$0x1], $0xffff;
	s31 =	sadd.s32 s24, s26;
	[tilespmem:s21+$0x2940 ss:$0x42] =	vst.msk $0xffff, v58  }
0x59: {  	v48 =	vld.idx.msk [tilespmem:v1+s31+$0x400 ss:$0x1], $0xffff;
	[tilespmem:s21+$0x2D60 ss:$0x42] =	vst.msk $0xffff, v59  }
0x5a: {  	v49 =	vld.idx.msk [tilespmem:v1+s31+$0x0 ss:$0x1], $0xffff;
	[tilespmem:s21+$0x3180 ss:$0x42] =	vst.msk $0xffff, v60  }
0x5b: {  	v50 =	vld.idx.msk [tilespmem:v1+s31+$0x10 ss:$0x1], $0xffff;
	[tilespmem:s21+$0x35A0 ss:$0x42] =	vst.msk $0xffff, v61  }
0x5c: {  	v51 =	vld.idx.msk [tilespmem:v1+s31+$0x20 ss:$0x1], $0xffff;
	[tilespmem:s21+$0x39C0 ss:$0x42] =	vst.msk $0xffff, v62  }
0x5d: {  	v52 =	vld.idx.msk [tilespmem:v1+s31+$0x30 ss:$0x1], $0xffff;
	[tilespmem:s21+$0x3DE0 ss:$0x42] =	vst.msk $0xffff, v63  }
0x5e: {  	v53 =	vld.idx.msk [tilespmem:v1+s31+$0x40 ss:$0x1], $0xffff;
	[tilespmem:s21+$0x2100 ss:$0x42] =	vst.msk $0xffff, v48  }
0x5f: {  	v54 =	vld.idx.msk [tilespmem:v1+s31+$0x50 ss:$0x1], $0xffff;
	[tilespmem:s21+$0x0 ss:$0x42] =	vst.msk $0xffff, v49  }
0x60: {  	v55 =	vld.idx.msk [tilespmem:v1+s31+$0x60 ss:$0x1], $0xffff;
	[tilespmem:s21+$0x420 ss:$0x42] =	vst.msk $0xffff, v50  }
0x61: {  	v56 =	vld.idx.msk [tilespmem:v1+s31+$0x70 ss:$0x1], $0xffff;
	[tilespmem:s21+$0x840 ss:$0x42] =	vst.msk $0xffff, v51  }
.Ltmp4:
0x62: {  	[tilespmem:s21+$0xC60 ss:$0x42] =	vst.msk $0xffff, v52;
	(pc) =	sbr.rel @p1 .LBB1_3-.Ltmp4, $4  }
0x63: {  	[tilespmem:s21+$0x1080 ss:$0x42] =	vst.msk $0xffff, v53  }
0x64: {  	[tilespmem:s21+$0x14A0 ss:$0x42] =	vst.msk $0xffff, v54  }
0x65: {  	[tilespmem:s21+$0x18C0 ss:$0x42] =	vst.msk $0xffff, v55  }
0x66: {  	p2 =	por $0x0, $0x0;
	[tilespmem:s21+$0x1CE0 ss:$0x42] =	vst.msk $0xffff, v56;
	s21 =	simm.s32 $0x1  }
.Ltmp5:
0x67: {  	s15 =	sshll.u32 s15, $0x16;
	(pc) =	sbr.rel .LBB1_7-.Ltmp5, $4  }
0x68: {  	s14 =	sshll.u32 s14, $0xE;
	s15 =	sadd.s32 s3, s15  }
0x69: {  	s13 =	sshll.u32 s13, $0xD;
	s14 =	sadd.s32 s14, s15  }
0x6a: {  	s13 =	sadd.s32 s13, s14  }
0x6b: {  	[hbm4b:s13+s7] =	stream.strided.scatter [tilespmem:s16], [sflag:$0x2], $0x4000, s8, s7, $0x10;
	[tilespmem:$0x10400] =	vst v63  }
.LBB1_8:
0x6c: {  	_ =	sfence.sel $0x180000  }
0x6d: {  	s2 =	simm.s32 $0x1;
	[bflag:$0x0] =	sbarrier.arrive $0xFFFF  }
0x6e: {  	s31 =	simm.s32 $0x2;
	[sflag:s2] =	ssyncpa.u1 $0x1  }
0x6f: {  	[sflag:s31] =	ssyncpa.u1 $0x1  }
0x70: {  	p0 =	sne.s32 s1, $0x0;
	_ =	strace $0x90000056  }
0x71: {  	s0 =	sadd.s32 @!p0 $0x100000, s0;
	[bflag:$0x2] =	sbarrier.arrive $0xFFFF  }
0x72: {  	[sflag:s0] =	ssyncadd.tile.s32 @!p0 $0x1;
	_ =	shalt  }
.Lfunc_end1:
_tile_overlayer_lowered:
.L_overlay_start_2:
0x73: {  	(tag) =	ssettag $0x2  }
0x74: {  	s0 =	rddreg [dreg:$0x0];
	s2 =	stileid.u32  }
0x75: {  	s1 =	rddreg [dreg:$0x1];
	p0 =	sne.s32 s2, $0x0  }
0x76: {  	s3 =	rddreg [dreg:$0x2];
	[bflag:$0x3] =	sbarrier.arrive $0xFFFF;
	s2 =	simm.s32 @!p0 $0x1C01  }
0x77: {  	[timem:s3], [sflag:s2] =	dma.local @!p0 [hbm:s0], s1  }
0x78: {  	s0 =	simm.s32 @!p0 $0x1  }
0x79: {  	_ =	swait.ge @!p0 [sflag:s0], s1  }
0x7a: {  	s1 =	ssub.s32 @!p0 $0x0, s1;
	[sflag:s0] =	ssyncset.done @!p0 $0x0  }
0x7b: {  	[sflag:s0] =	ssyncadd.s32 @!p0 s1  }
0x7c: {  	[bflag:$0x3] =	sbarrier.arrive $0xFFFF  }
0x7d: {  	_ =	shalt  }

</sc_bundles>
